<compile_context>
chip_gen: v7x
topology: tpu7x:2x2x1
jax: 0.10.2.dev20260603
libtpu: 0.0.44.dev20260713+nightly
codegen_flags: <defaults>
</compile_context>

<pallas_src>
import functools

import jax
import jax.numpy as jnp
from jax import lax
from jax.experimental import pallas as pl
from jax.experimental.pallas import tpu as pltpu
from jax.experimental.pallas import tpu_sc as plsc

NC = 2
NS = 16
NW = NC * NS
LANES = 16
CHUNK = 16384


def _table_body(h_ref, d_ref, T_ref, b_ref, hg_ref, L_ref):
    h = h_ref[...]
    d = d_ref[...]
    T = T_ref[...]
    b = b_ref[0, 0]
    kc = h.shape[1] - 1
    acc = d[0, 1] * (h[:, 0:1] >= T[0, 1]).astype(jnp.float32)
    for t in range(2, kc + 1):
        acc = acc + d[0, t] * (h[:, t:t + 1] >= T[0, t]).astype(jnp.float32)
    L_ref[...] = acc - b
    hg_ref[...] = h[:, 0:1]


def _build_tables(h, d, T, b):
    numh = h.shape[0]
    hg, L = pl.pallas_call(
        _table_body,
        out_shape=[
            jax.ShapeDtypeStruct((numh, 1), jnp.float32),
            jax.ShapeDtypeStruct((numh, 1), jnp.float32),
        ],
    )(h, d.reshape(1, -1), T.reshape(1, -1), jnp.reshape(b, (1, 1)))
    return hg.reshape(numh), L.reshape(numh)


def _sc_body(numh, nchunk, x_hbm, hg_hbm, L_hbm, out_hbm, hg_v, L_v, xb, ob):
    wid = lax.axis_index("s") * NC + lax.axis_index("c")
    base = wid * (nchunk * CHUNK)
    pltpu.sync_copy(hg_hbm, hg_v)
    pltpu.sync_copy(L_hbm, L_v)

    def chunk_body(ci, carry):
        off = base + ci * CHUNK
        pltpu.sync_copy(x_hbm.at[pl.ds(off, CHUNK)], xb)

        def vec_body(i, c2):
            s = pl.multiple_of(i * LANES, LANES)
            xv = xb[pl.ds(s, LANES)]
            pos = jnp.zeros((LANES,), jnp.int32)
            stp = numh >> 1
            while stp > 0:
                hv = plsc.load_gather(hg_v, [pos + (stp - 1)])
                pos = pos + jnp.where(hv < xv, stp, 0)
                stp >>= 1
            idx = jnp.clip(pos, 1, numh - 1)
            left = plsc.load_gather(hg_v, [idx - 1])
            right = plsc.load_gather(hg_v, [idx])
            pick_left = jnp.abs(xv - left) < jnp.abs(xv - right)
            nidx = jnp.where(pick_left, idx - 1, idx)
            ob[pl.ds(s, LANES)] = plsc.load_gather(L_v, [nidx])
            return c2

        lax.fori_loop(0, CHUNK // LANES, vec_body, 0, unroll=4)
        pltpu.sync_copy(ob, out_hbm.at[pl.ds(off, CHUNK)])
        return carry

    lax.fori_loop(0, nchunk, chunk_body, 0)


def _sc_lookup(xf, hg, L):
    n = xf.shape[0]
    numh = hg.shape[0]
    assert n % (NW * CHUNK) == 0, n
    nchunk = n // (NW * CHUNK)
    mesh = plsc.VectorSubcoreMesh(core_axis_name="c", subcore_axis_name="s")
    return pl.kernel(
        functools.partial(_sc_body, numh, nchunk),
        out_type=jax.ShapeDtypeStruct((n,), jnp.float32),
        mesh=mesh,
        compiler_params=pltpu.CompilerParams(
            needs_layout_passes=False, use_tc_tiling_on_sc=False),
        scratch_types=[
            pltpu.VMEM((numh,), jnp.float32),
            pltpu.VMEM((numh,), jnp.float32),
            pltpu.VMEM((CHUNK,), jnp.float32),
            pltpu.VMEM((CHUNK,), jnp.float32),
        ],
    )(xf, hg, L)


def kernel(x, h, d, T, b):
    sp = x.shape
    hg, L = _build_tables(h, d, T, b)
    out = _sc_lookup(x.reshape(-1), hg, L)
    return out.reshape(sp)

# --- scband reference (transcript-rebuilt; emitter-appended) ---
"""Pipeline reference for scband-ps-activation-31774168055919 (READ-ONLY COPY).

The authoritative reference and input builder live on the scoring server;
editing this copy changes nothing except your own understanding.
"""

import jax, jax.numpy as jnp
import numpy as np

NUMH = 1024
K = 8

def setup_inputs(seed: int = 0) -> dict:
    key = jax.random.key(seed)
    k1, k2, k3, k4, k5 = jax.random.split(key, 5)
    x = jax.random.normal(k1, (4, 4096, 2048), dtype=jnp.float32)
    # h[:, 0] must be sorted (it is the searchsorted grid); remaining columns are
    # the per-step high-dimensional replay values h[idx, t+1].
    h0 = jnp.sort(jax.random.uniform(k2, (NUMH,), minval=-8.0, maxval=8.0, dtype=jnp.float32))
    hrest = jax.random.normal(k3, (NUMH, K), dtype=jnp.float32)
    h = jnp.concatenate([h0[:, None], hrest], axis=1)
    d = jax.random.normal(k4, (K + 1,), dtype=jnp.float32) * 0.1
    T = jnp.sort(jax.random.normal(k5, (K + 1,), dtype=jnp.float32))
    b = jnp.float32(0.05)
    return {"x": x, "h": h, "d": d, "T": T, "b": b}


def reference(x, h, d, T, b):
    sp = x.shape
    x_flat = x.reshape(-1)
    _h = h[:, 0]
    # quantize x to nearest grid point in _h via searchsorted (binning)
    idx = jnp.searchsorted(_h, x_flat)
    idx = jnp.clip(idx, 1, _h.shape[0] - 1)
    left = _h[idx - 1]
    right = _h[idx]
    left_diff = jnp.abs(x_flat - left)
    right_diff = jnp.abs(x_flat - right)
    nearest = jnp.where(left_diff < right_diff, left, right)
    nearest_idx = jnp.where(left_diff < right_diff, idx - 1, idx)
    xq = nearest.reshape(sp)
    iq = nearest_idx.reshape(sp)
    # ps spiking loop
    v = xq
    out = jnp.zeros_like(xq)
    spikes = jnp.float32(0.0)
    Kc = d.shape[0] - 1
    for t in range(1, Kc + 1):
        z = jnp.where(v - T[t] >= 0, jnp.ones_like(v), jnp.zeros_like(v))
        out = out + z * d[t]
        spikes = spikes + z.sum()
        if t != Kc:
            v = h[iq, t + 1]
    out = out - b
    return out

if __name__ == "__main__":
    import jax
    _d = setup_inputs()
    print(jax.jit(kernel)(*tuple(_d.values())))

</pallas_src>

<mosaic_0001>
#map = affine_map<(d0, d1) -> (0)>
module attributes {stable_mosaic.version = 14 : i64} {
  func.func @_sc_body(%arg0: i32, %arg1: i32, %arg2: memref<33554432xf32, #tpu.memory_space<hbm>>, %arg3: memref<1024xf32, #tpu.memory_space<hbm>>, %arg4: memref<1024xf32, #tpu.memory_space<hbm>>, %arg5: memref<33554432xf32, #tpu.memory_space<hbm>>, %arg6: memref<1024xf32, #tpu.memory_space<vmem>>, %arg7: memref<1024xf32, #tpu.memory_space<vmem>>, %arg8: memref<16384xf32, #tpu.memory_space<vmem>>, %arg9: memref<16384xf32, #tpu.memory_space<vmem>>) attributes {dimension_semantics = [#tpu.dimension_semantics<core_parallel>, #tpu.dimension_semantics<subcore_parallel>], iteration_bounds = array<i64: 2, 16>, scalar_prefetch = 0 : i64, scratch_operands = 4 : i64, tpu.core_type = #tpu.core_type<sc_vector_subcore>, window_params = [{transform_indices = #map}, {transform_indices = #map}, {transform_indices = #map}, {transform_indices = #map}]} {
    %mul3A = arith.constant 2 : i32
    %mul3A_0 = arith.muli %arg1, %mul3A : i32
    %add3A = arith.addi %mul3A_0, %arg0 : i32
    %mul3A_1 = arith.constant 1048576 : i32
    %mul3A_2 = arith.muli %add3A, %mul3A_1 : i32
    "tpu.region"() ({
      %run_scoped3A = tpu.sem_alloc : memref<!tpu.dma_semaphore, #tpu.memory_space<semaphore_mem>>
      tpu.enqueue_dma source(%arg3 : memref<1024xf32, #tpu.memory_space<hbm>>) target(%arg6 : memref<1024xf32, #tpu.memory_space<vmem>>) target_semaphore(%run_scoped3A : memref<!tpu.dma_semaphore, #tpu.memory_space<semaphore_mem>>)
      tpu.wait_dma2 semaphore(%run_scoped3A : memref<!tpu.dma_semaphore, #tpu.memory_space<semaphore_mem>>) src(%arg3 : memref<1024xf32, #tpu.memory_space<hbm>>) dst(%arg6 : memref<1024xf32, #tpu.memory_space<vmem>>)
      tpu.yield
    }) : () -> ()
    "tpu.region"() ({
      %run_scoped3A = tpu.sem_alloc : memref<!tpu.dma_semaphore, #tpu.memory_space<semaphore_mem>>
      tpu.enqueue_dma source(%arg4 : memref<1024xf32, #tpu.memory_space<hbm>>) target(%arg7 : memref<1024xf32, #tpu.memory_space<vmem>>) target_semaphore(%run_scoped3A : memref<!tpu.dma_semaphore, #tpu.memory_space<semaphore_mem>>)
      tpu.wait_dma2 semaphore(%run_scoped3A : memref<!tpu.dma_semaphore, #tpu.memory_space<semaphore_mem>>) src(%arg4 : memref<1024xf32, #tpu.memory_space<hbm>>) dst(%arg7 : memref<1024xf32, #tpu.memory_space<vmem>>)
      tpu.yield
    }) : () -> ()
    %scan3A = arith.constant 0 : i32
    %scan3A_3 = arith.constant 0 : i32
    %scan3A_4 = arith.constant 64 : i32
    %scan3A_5 = arith.addi %scan3A_3, %scan3A_4 : i32
    %scan3A_6 = arith.constant 1 : i32
    scf.for %scan3A_8 = %scan3A_3 to %scan3A_5 step %scan3A_6  : i32 {
      %mul3A_9 = arith.constant 16384 : i32
      %mul3A_10 = arith.muli %scan3A_8, %mul3A_9 : i32
      %add3A_11 = arith.addi %mul3A_2, %mul3A_10 : i32
      "tpu.region"() ({
        %run_scoped3A = tpu.sem_alloc : memref<!tpu.dma_semaphore, #tpu.memory_space<semaphore_mem>>
        %dma_start3A = tpu.memref_slice %arg2[%add3A_11] : memref<33554432xf32, #tpu.memory_space<hbm>> -> memref<16384xf32, #tpu.memory_space<hbm>>
        %dma_start3A_18 = tpu.memref_slice %arg2[%add3A_11] : memref<33554432xf32, #tpu.memory_space<hbm>> -> memref<16384xf32, #tpu.memory_space<hbm>>
        tpu.enqueue_dma source(%dma_start3A_18 : memref<16384xf32, #tpu.memory_space<hbm>>) target(%arg8 : memref<16384xf32, #tpu.memory_space<vmem>>) target_semaphore(%run_scoped3A : memref<!tpu.dma_semaphore, #tpu.memory_space<semaphore_mem>>)
        %dma_wait3A = tpu.memref_slice %arg2[%add3A_11] : memref<33554432xf32, #tpu.memory_space<hbm>> -> memref<16384xf32, #tpu.memory_space<hbm>>
        %dma_wait3A_19 = tpu.memref_slice %arg2[%add3A_11] : memref<33554432xf32, #tpu.memory_space<hbm>> -> memref<16384xf32, #tpu.memory_space<hbm>>
        tpu.wait_dma2 semaphore(%run_scoped3A : memref<!tpu.dma_semaphore, #tpu.memory_space<semaphore_mem>>) src(%dma_wait3A_19 : memref<16384xf32, #tpu.memory_space<hbm>>) dst(%arg8 : memref<16384xf32, #tpu.memory_space<vmem>>)
        tpu.yield
      }) : () -> ()
      %scan3A_12 = arith.constant 0 : i32
      %scan3A_13 = arith.constant 0 : i32
      %scan3A_14 = arith.constant 1024 : i32
      %scan3A_15 = arith.addi %scan3A_13, %scan3A_14 : i32
      %scan3A_16 = arith.constant 4 : i32
      scf.for %scan3A_18 = %scan3A_13 to %scan3A_15 step %scan3A_16  : i32 {
        %mul3A_19 = arith.constant 16 : i32
        %mul3A_20 = arith.muli %scan3A_18, %mul3A_19 : i32
        %multiple_of3A = tpu.assume_multiple %mul3A_20, 16 : i32
        %get3A = arith.index_cast %multiple_of3A : i32 to index
        %get3A_21 = tpu.vector_load %arg8[%get3A] {strides = array<i32>} : memref<16384xf32, #tpu.memory_space<vmem>>, vector<16xf32>,
        %broadcast_in_dim3A = arith.constant 0 : i32
        %broadcast_in_dim3A_22 = vector.broadcast %broadcast_in_dim3A : i32 to vector<16xi32>
        %add3A_23 = arith.constant 511 : i32
        %add3A_24 = vector.broadcast %add3A_23 : i32 to vector<16xi32>
        %add3A_25 = arith.addi %broadcast_in_dim3A_22, %add3A_24 : vector<16xi32>
        %gather3A = tpu.vector_load_idx %arg6[%add3A_25] : memref<1024xf32, #tpu.memory_space<vmem>>[vector<16xi32>], vector<16xf32>,
        %lt3A = arith.cmpf olt, %gather3A, %get3A_21 : vector<16xf32>
        %jit3A = arith.constant 512 : i32
        %jit3A_26 = arith.constant 0 : i32
        %broadcast_in_dim3A_27 = vector.broadcast %jit3A : i32 to vector<16xi32>
        %broadcast_in_dim3A_28 = vector.broadcast %jit3A_26 : i32 to vector<16xi32>
        %select_n3A = arith.select %lt3A, %broadcast_in_dim3A_27, %broadcast_in_dim3A_28 : vector<16xi1>, vector<16xi32>
        %add3A_29 = arith.addi %broadcast_in_dim3A_22, %select_n3A : vector<16xi32>
        %add3A_30 = arith.constant 255 : i32
        %add3A_31 = vector.broadcast %add3A_30 : i32 to vector<16xi32>
        %add3A_32 = arith.addi %add3A_29, %add3A_31 : vector<16xi32>
        %gather3A_33 = tpu.vector_load_idx %arg6[%add3A_32] : memref<1024xf32, #tpu.memory_space<vmem>>[vector<16xi32>], vector<16xf32>,
        %lt3A_34 = arith.cmpf olt, %gather3A_33, %get3A_21 : vector<16xf32>
        %jit3A_35 = arith.constant 256 : i32
        %jit3A_36 = arith.constant 0 : i32
        %broadcast_in_dim3A_37 = vector.broadcast %jit3A_35 : i32 to vector<16xi32>
        %broadcast_in_dim3A_38 = vector.broadcast %jit3A_36 : i32 to vector<16xi32>
        %select_n3A_39 = arith.select %lt3A_34, %broadcast_in_dim3A_37, %broadcast_in_dim3A_38 : vector<16xi1>, vector<16xi32>
        %add3A_40 = arith.addi %add3A_29, %select_n3A_39 : vector<16xi32>
        %add3A_41 = arith.constant 127 : i32
        %add3A_42 = vector.broadcast %add3A_41 : i32 to vector<16xi32>
        %add3A_43 = arith.addi %add3A_40, %add3A_42 : vector<16xi32>
        %gather3A_44 = tpu.vector_load_idx %arg6[%add3A_43] : memref<1024xf32, #tpu.memory_space<vmem>>[vector<16xi32>], vector<16xf32>,
        %lt3A_45 = arith.cmpf olt, %gather3A_44, %get3A_21 : vector<16xf32>
        %jit3A_46 = arith.constant 128 : i32
        %jit3A_47 = arith.constant 0 : i32
        %broadcast_in_dim3A_48 = vector.broadcast %jit3A_46 : i32 to vector<16xi32>
        %broadcast_in_dim3A_49 = vector.broadcast %jit3A_47 : i32 to vector<16xi32>
        %select_n3A_50 = arith.select %lt3A_45, %broadcast_in_dim3A_48, %broadcast_in_dim3A_49 : vector<16xi1>, vector<16xi32>
        %add3A_51 = arith.addi %add3A_40, %select_n3A_50 : vector<16xi32>
        %add3A_52 = arith.constant 63 : i32
        %add3A_53 = vector.broadcast %add3A_52 : i32 to vector<16xi32>
        %add3A_54 = arith.addi %add3A_51, %add3A_53 : vector<16xi32>
        %gather3A_55 = tpu.vector_load_idx %arg6[%add3A_54] : memref<1024xf32, #tpu.memory_space<vmem>>[vector<16xi32>], vector<16xf32>,
        %lt3A_56 = arith.cmpf olt, %gather3A_55, %get3A_21 : vector<16xf32>
        %jit3A_57 = arith.constant 64 : i32
        %jit3A_58 = arith.constant 0 : i32
        %broadcast_in_dim3A_59 = vector.broadcast %jit3A_57 : i32 to vector<16xi32>
        %broadcast_in_dim3A_60 = vector.broadcast %jit3A_58 : i32 to vector<16xi32>
        %select_n3A_61 = arith.select %lt3A_56, %broadcast_in_dim3A_59, %broadcast_in_dim3A_60 : vector<16xi1>, vector<16xi32>
        %add3A_62 = arith.addi %add3A_51, %select_n3A_61 : vector<16xi32>
        %add3A_63 = arith.constant 31 : i32
        %add3A_64 = vector.broadcast %add3A_63 : i32 to vector<16xi32>
        %add3A_65 = arith.addi %add3A_62, %add3A_64 : vector<16xi32>
        %gather3A_66 = tpu.vector_load_idx %arg6[%add3A_65] : memref<1024xf32, #tpu.memory_space<vmem>>[vector<16xi32>], vector<16xf32>,
        %lt3A_67 = arith.cmpf olt, %gather3A_66, %get3A_21 : vector<16xf32>
        %jit3A_68 = arith.constant 32 : i32
        %jit3A_69 = arith.constant 0 : i32
        %broadcast_in_dim3A_70 = vector.broadcast %jit3A_68 : i32 to vector<16xi32>
        %broadcast_in_dim3A_71 = vector.broadcast %jit3A_69 : i32 to vector<16xi32>
        %select_n3A_72 = arith.select %lt3A_67, %broadcast_in_dim3A_70, %broadcast_in_dim3A_71 : vector<16xi1>, vector<16xi32>
        %add3A_73 = arith.addi %add3A_62, %select_n3A_72 : vector<16xi32>
        %add3A_74 = arith.constant 15 : i32
        %add3A_75 = vector.broadcast %add3A_74 : i32 to vector<16xi32>
        %add3A_76 = arith.addi %add3A_73, %add3A_75 : vector<16xi32>
        %gather3A_77 = tpu.vector_load_idx %arg6[%add3A_76] : memref<1024xf32, #tpu.memory_space<vmem>>[vector<16xi32>], vector<16xf32>,
        %lt3A_78 = arith.cmpf olt, %gather3A_77, %get3A_21 : vector<16xf32>
        %jit3A_79 = arith.constant 16 : i32
        %jit3A_80 = arith.constant 0 : i32
        %broadcast_in_dim3A_81 = vector.broadcast %jit3A_79 : i32 to vector<16xi32>
        %broadcast_in_dim3A_82 = vector.broadcast %jit3A_80 : i32 to vector<16xi32>
        %select_n3A_83 = arith.select %lt3A_78, %broadcast_in_dim3A_81, %broadcast_in_dim3A_82 : vector<16xi1>, vector<16xi32>
        %add3A_84 = arith.addi %add3A_73, %select_n3A_83 : vector<16xi32>
        %add3A_85 = arith.constant 7 : i32
        %add3A_86 = vector.broadcast %add3A_85 : i32 to vector<16xi32>
        %add3A_87 = arith.addi %add3A_84, %add3A_86 : vector<16xi32>
        %gather3A_88 = tpu.vector_load_idx %arg6[%add3A_87] : memref<1024xf32, #tpu.memory_space<vmem>>[vector<16xi32>], vector<16xf32>,
        %lt3A_89 = arith.cmpf olt, %gather3A_88, %get3A_21 : vector<16xf32>
        %jit3A_90 = arith.constant 8 : i32
        %jit3A_91 = arith.constant 0 : i32
        %broadcast_in_dim3A_92 = vector.broadcast %jit3A_90 : i32 to vector<16xi32>
        %broadcast_in_dim3A_93 = vector.broadcast %jit3A_91 : i32 to vector<16xi32>
        %select_n3A_94 = arith.select %lt3A_89, %broadcast_in_dim3A_92, %broadcast_in_dim3A_93 : vector<16xi1>, vector<16xi32>
        %add3A_95 = arith.addi %add3A_84, %select_n3A_94 : vector<16xi32>
        %add3A_96 = arith.constant 3 : i32
        %add3A_97 = vector.broadcast %add3A_96 : i32 to vector<16xi32>
        %add3A_98 = arith.addi %add3A_95, %add3A_97 : vector<16xi32>
        %gather3A_99 = tpu.vector_load_idx %arg6[%add3A_98] : memref<1024xf32, #tpu.memory_space<vmem>>[vector<16xi32>], vector<16xf32>,
        %lt3A_100 = arith.cmpf olt, %gather3A_99, %get3A_21 : vector<16xf32>
        %jit3A_101 = arith.constant 4 : i32
        %jit3A_102 = arith.constant 0 : i32
        %broadcast_in_dim3A_103 = vector.broadcast %jit3A_101 : i32 to vector<16xi32>
        %broadcast_in_dim3A_104 = vector.broadcast %jit3A_102 : i32 to vector<16xi32>
        %select_n3A_105 = arith.select %lt3A_100, %broadcast_in_dim3A_103, %broadcast_in_dim3A_104 : vector<16xi1>, vector<16xi32>
        %add3A_106 = arith.addi %add3A_95, %select_n3A_105 : vector<16xi32>
        %add3A_107 = arith.constant 1 : i32
        %add3A_108 = vector.broadcast %add3A_107 : i32 to vector<16xi32>
        %add3A_109 = arith.addi %add3A_106, %add3A_108 : vector<16xi32>
        %gather3A_110 = tpu.vector_load_idx %arg6[%add3A_109] : memref<1024xf32, #tpu.memory_space<vmem>>[vector<16xi32>], vector<16xf32>,
        %lt3A_111 = arith.cmpf olt, %gather3A_110, %get3A_21 : vector<16xf32>
        %jit3A_112 = arith.constant 2 : i32
        %jit3A_113 = arith.constant 0 : i32
        %broadcast_in_dim3A_114 = vector.broadcast %jit3A_112 : i32 to vector<16xi32>
        %broadcast_in_dim3A_115 = vector.broadcast %jit3A_113 : i32 to vector<16xi32>
        %select_n3A_116 = arith.select %lt3A_111, %broadcast_in_dim3A_114, %broadcast_in_dim3A_115 : vector<16xi1>, vector<16xi32>
        %add3A_117 = arith.addi %add3A_106, %select_n3A_116 : vector<16xi32>
        %add3A_118 = arith.constant 0 : i32
        %add3A_119 = vector.broadcast %add3A_118 : i32 to vector<16xi32>
        %add3A_120 = arith.addi %add3A_117, %add3A_119 : vector<16xi32>
        %gather3A_121 = tpu.vector_load_idx %arg6[%add3A_120] : memref<1024xf32, #tpu.memory_space<vmem>>[vector<16xi32>], vector<16xf32>,
        %lt3A_122 = arith.cmpf olt, %gather3A_121, %get3A_21 : vector<16xf32>
        %jit3A_123 = arith.constant 1 : i32
        %jit3A_124 = arith.constant 0 : i32
        %broadcast_in_dim3A_125 = vector.broadcast %jit3A_123 : i32 to vector<16xi32>
        %broadcast_in_dim3A_126 = vector.broadcast %jit3A_124 : i32 to vector<16xi32>
        %select_n3A_127 = arith.select %lt3A_122, %broadcast_in_dim3A_125, %broadcast_in_dim3A_126 : vector<16xi1>, vector<16xi32>
        %add3A_128 = arith.addi %add3A_117, %select_n3A_127 : vector<16xi32>
        %jit3A_129 = arith.constant 1 : i32
        %jit3A_130 = arith.constant 1023 : i32
        %max3A = vector.broadcast %jit3A_129 : i32 to vector<16xi32>
        %max3A_131 = arith.maxsi %max3A, %add3A_128 : vector<16xi32>
        %min3A = vector.broadcast %jit3A_130 : i32 to vector<16xi32>
        %min3A_132 = arith.minsi %min3A, %max3A_131 : vector<16xi32>
        %sub3A = arith.constant 1 : i32
        %sub3A_133 = vector.broadcast %sub3A : i32 to vector<16xi32>
        %sub3A_134 = arith.subi %min3A_132, %sub3A_133 : vector<16xi32>
        %gather3A_135 = tpu.vector_load_idx %arg6[%sub3A_134] : memref<1024xf32, #tpu.memory_space<vmem>>[vector<16xi32>], vector<16xf32>,
        %gather3A_136 = tpu.vector_load_idx %arg6[%min3A_132] : memref<1024xf32, #tpu.memory_space<vmem>>[vector<16xi32>], vector<16xf32>,
        %sub3A_137 = arith.subf %get3A_21, %gather3A_135 : vector<16xf32>
        %abs3A = math.absf %sub3A_137 : vector<16xf32>
        %sub3A_138 = arith.subf %get3A_21, %gather3A_136 : vector<16xf32>
        %abs3A_139 = math.absf %sub3A_138 : vector<16xf32>
        %lt3A_140 = arith.cmpf olt, %abs3A, %abs3A_139 : vector<16xf32>
        %sub3A_141 = arith.constant 1 : i32
        %sub3A_142 = vector.broadcast %sub3A_141 : i32 to vector<16xi32>
        %sub3A_143 = arith.subi %min3A_132, %sub3A_142 : vector<16xi32>
        %select_n3A_144 = arith.select %lt3A_140, %sub3A_143, %min3A_132 : vector<16xi1>, vector<16xi32>
        %gather3A_145 = tpu.vector_load_idx %arg7[%select_n3A_144] : memref<1024xf32, #tpu.memory_space<vmem>>[vector<16xi32>], vector<16xf32>,
        %swap3A = arith.index_cast %multiple_of3A : i32 to index
        %swap3A_146 = tpu.vector_load %arg9[%swap3A] {strides = array<i32>} : memref<16384xf32, #tpu.memory_space<vmem>>, vector<16xf32>,
        tpu.vector_store %arg9[%swap3A], %gather3A_145 {strides = array<i32>} : memref<16384xf32, #tpu.memory_space<vmem>>, vector<16xf32>,
        %scan3A_147 = arith.constant 1 : i32
        %scan3A_148 = arith.addi %scan3A_18, %scan3A_147 : i32
        %mul3A_149 = arith.constant 16 : i32
        %mul3A_150 = arith.muli %scan3A_148, %mul3A_149 : i32
        %multiple_of3A_151 = tpu.assume_multiple %mul3A_150, 16 : i32
        %get3A_152 = arith.index_cast %multiple_of3A_151 : i32 to index
        %get3A_153 = tpu.vector_load %arg8[%get3A_152] {strides = array<i32>} : memref<16384xf32, #tpu.memory_space<vmem>>, vector<16xf32>,
        %broadcast_in_dim3A_154 = arith.constant 0 : i32
        %broadcast_in_dim3A_155 = vector.broadcast %broadcast_in_dim3A_154 : i32 to vector<16xi32>
        %add3A_156 = arith.constant 511 : i32
        %add3A_157 = vector.broadcast %add3A_156 : i32 to vector<16xi32>
        %add3A_158 = arith.addi %broadcast_in_dim3A_155, %add3A_157 : vector<16xi32>
        %gather3A_159 = tpu.vector_load_idx %arg6[%add3A_158] : memref<1024xf32, #tpu.memory_space<vmem>>[vector<16xi32>], vector<16xf32>,
        %lt3A_160 = arith.cmpf olt, %gather3A_159, %get3A_153 : vector<16xf32>
        %jit3A_161 = arith.constant 512 : i32
        %jit3A_162 = arith.constant 0 : i32
        %broadcast_in_dim3A_163 = vector.broadcast %jit3A_161 : i32 to vector<16xi32>
        %broadcast_in_dim3A_164 = vector.broadcast %jit3A_162 : i32 to vector<16xi32>
        %select_n3A_165 = arith.select %lt3A_160, %broadcast_in_dim3A_163, %broadcast_in_dim3A_164 : vector<16xi1>, vector<16xi32>
        %add3A_166 = arith.addi %broadcast_in_dim3A_155, %select_n3A_165 : vector<16xi32>
        %add3A_167 = arith.constant 255 : i32
        %add3A_168 = vector.broadcast %add3A_167 : i32 to vector<16xi32>
        %add3A_169 = arith.addi %add3A_166, %add3A_168 : vector<16xi32>
        %gather3A_170 = tpu.vector_load_idx %arg6[%add3A_169] : memref<1024xf32, #tpu.memory_space<vmem>>[vector<16xi32>], vector<16xf32>,
        %lt3A_171 = arith.cmpf olt, %gather3A_170, %get3A_153 : vector<16xf32>
        %jit3A_172 = arith.constant 256 : i32
        %jit3A_173 = arith.constant 0 : i32
        %broadcast_in_dim3A_174 = vector.broadcast %jit3A_172 : i32 to vector<16xi32>
        %broadcast_in_dim3A_175 = vector.broadcast %jit3A_173 : i32 to vector<16xi32>
        %select_n3A_176 = arith.select %lt3A_171, %broadcast_in_dim3A_174, %broadcast_in_dim3A_175 : vector<16xi1>, vector<16xi32>
        %add3A_177 = arith.addi %add3A_166, %select_n3A_176 : vector<16xi32>
        %add3A_178 = arith.constant 127 : i32
        %add3A_179 = vector.broadcast %add3A_178 : i32 to vector<16xi32>
        %add3A_180 = arith.addi %add3A_177, %add3A_179 : vector<16xi32>
        %gather3A_181 = tpu.vector_load_idx %arg6[%add3A_180] : memref<1024xf32, #tpu.memory_space<vmem>>[vector<16xi32>], vector<16xf32>,
        %lt3A_182 = arith.cmpf olt, %gather3A_181, %get3A_153 : vector<16xf32>
        %jit3A_183 = arith.constant 128 : i32
        %jit3A_184 = arith.constant 0 : i32
        %broadcast_in_dim3A_185 = vector.broadcast %jit3A_183 : i32 to vector<16xi32>
        %broadcast_in_dim3A_186 = vector.broadcast %jit3A_184 : i32 to vector<16xi32>
        %select_n3A_187 = arith.select %lt3A_182, %broadcast_in_dim3A_185, %broadcast_in_dim3A_186 : vector<16xi1>, vector<16xi32>
        %add3A_188 = arith.addi %add3A_177, %select_n3A_187 : vector<16xi32>
        %add3A_189 = arith.constant 63 : i32
        %add3A_190 = vector.broadcast %add3A_189 : i32 to vector<16xi32>
        %add3A_191 = arith.addi %add3A_188, %add3A_190 : vector<16xi32>
        %gather3A_192 = tpu.vector_load_idx %arg6[%add3A_191] : memref<1024xf32, #tpu.memory_space<vmem>>[vector<16xi32>], vector<16xf32>,
        %lt3A_193 = arith.cmpf olt, %gather3A_192, %get3A_153 : vector<16xf32>
        %jit3A_194 = arith.constant 64 : i32
        %jit3A_195 = arith.constant 0 : i32
        %broadcast_in_dim3A_196 = vector.broadcast %jit3A_194 : i32 to vector<16xi32>
        %broadcast_in_dim3A_197 = vector.broadcast %jit3A_195 : i32 to vector<16xi32>
        %select_n3A_198 = arith.select %lt3A_193, %broadcast_in_dim3A_196, %broadcast_in_dim3A_197 : vector<16xi1>, vector<16xi32>
        %add3A_199 = arith.addi %add3A_188, %select_n3A_198 : vector<16xi32>
        %add3A_200 = arith.constant 31 : i32
        %add3A_201 = vector.broadcast %add3A_200 : i32 to vector<16xi32>
        %add3A_202 = arith.addi %add3A_199, %add3A_201 : vector<16xi32>
        %gather3A_203 = tpu.vector_load_idx %arg6[%add3A_202] : memref<1024xf32, #tpu.memory_space<vmem>>[vector<16xi32>], vector<16xf32>,
        %lt3A_204 = arith.cmpf olt, %gather3A_203, %get3A_153 : vector<16xf32>
        %jit3A_205 = arith.constant 32 : i32
        %jit3A_206 = arith.constant 0 : i32
        %broadcast_in_dim3A_207 = vector.broadcast %jit3A_205 : i32 to vector<16xi32>
        %broadcast_in_dim3A_208 = vector.broadcast %jit3A_206 : i32 to vector<16xi32>
        %select_n3A_209 = arith.select %lt3A_204, %broadcast_in_dim3A_207, %broadcast_in_dim3A_208 : vector<16xi1>, vector<16xi32>
        %add3A_210 = arith.addi %add3A_199, %select_n3A_209 : vector<16xi32>
        %add3A_211 = arith.constant 15 : i32
        %add3A_212 = vector.broadcast %add3A_211 : i32 to vector<16xi32>
        %add3A_213 = arith.addi %add3A_210, %add3A_212 : vector<16xi32>
        %gather3A_214 = tpu.vector_load_idx %arg6[%add3A_213] : memref<1024xf32, #tpu.memory_space<vmem>>[vector<16xi32>], vector<16xf32>,
        %lt3A_215 = arith.cmpf olt, %gather3A_214, %get3A_153 : vector<16xf32>
        %jit3A_216 = arith.constant 16 : i32
        %jit3A_217 = arith.constant 0 : i32
        %broadcast_in_dim3A_218 = vector.broadcast %jit3A_216 : i32 to vector<16xi32>
        %broadcast_in_dim3A_219 = vector.broadcast %jit3A_217 : i32 to vector<16xi32>
        %select_n3A_220 = arith.select %lt3A_215, %broadcast_in_dim3A_218, %broadcast_in_dim3A_219 : vector<16xi1>, vector<16xi32>
        %add3A_221 = arith.addi %add3A_210, %select_n3A_220 : vector<16xi32>
        %add3A_222 = arith.constant 7 : i32
        %add3A_223 = vector.broadcast %add3A_222 : i32 to vector<16xi32>
        %add3A_224 = arith.addi %add3A_221, %add3A_223 : vector<16xi32>
        %gather3A_225 = tpu.vector_load_idx %arg6[%add3A_224] : memref<1024xf32, #tpu.memory_space<vmem>>[vector<16xi32>], vector<16xf32>,
        %lt3A_226 = arith.cmpf olt, %gather3A_225, %get3A_153 : vector<16xf32>
        %jit3A_227 = arith.constant 8 : i32
        %jit3A_228 = arith.constant 0 : i32
        %broadcast_in_dim3A_229 = vector.broadcast %jit3A_227 : i32 to vector<16xi32>
        %broadcast_in_dim3A_230 = vector.broadcast %jit3A_228 : i32 to vector<16xi32>
        %select_n3A_231 = arith.select %lt3A_226, %broadcast_in_dim3A_229, %broadcast_in_dim3A_230 : vector<16xi1>, vector<16xi32>
        %add3A_232 = arith.addi %add3A_221, %select_n3A_231 : vector<16xi32>
        %add3A_233 = arith.constant 3 : i32
        %add3A_234 = vector.broadcast %add3A_233 : i32 to vector<16xi32>
        %add3A_235 = arith.addi %add3A_232, %add3A_234 : vector<16xi32>
        %gather3A_236 = tpu.vector_load_idx %arg6[%add3A_235] : memref<1024xf32, #tpu.memory_space<vmem>>[vector<16xi32>], vector<16xf32>,
        %lt3A_237 = arith.cmpf olt, %gather3A_236, %get3A_153 : vector<16xf32>
        %jit3A_238 = arith.constant 4 : i32
        %jit3A_239 = arith.constant 0 : i32
        %broadcast_in_dim3A_240 = vector.broadcast %jit3A_238 : i32 to vector<16xi32>
        %broadcast_in_dim3A_241 = vector.broadcast %jit3A_239 : i32 to vector<16xi32>
        %select_n3A_242 = arith.select %lt3A_237, %broadcast_in_dim3A_240, %broadcast_in_dim3A_241 : vector<16xi1>, vector<16xi32>
        %add3A_243 = arith.addi %add3A_232, %select_n3A_242 : vector<16xi32>
        %add3A_244 = arith.constant 1 : i32
        %add3A_245 = vector.broadcast %add3A_244 : i32 to vector<16xi32>
        %add3A_246 = arith.addi %add3A_243, %add3A_245 : vector<16xi32>
        %gather3A_247 = tpu.vector_load_idx %arg6[%add3A_246] : memref<1024xf32, #tpu.memory_space<vmem>>[vector<16xi32>], vector<16xf32>,
        %lt3A_248 = arith.cmpf olt, %gather3A_247, %get3A_153 : vector<16xf32>
        %jit3A_249 = arith.constant 2 : i32
        %jit3A_250 = arith.constant 0 : i32
        %broadcast_in_dim3A_251 = vector.broadcast %jit3A_249 : i32 to vector<16xi32>
        %broadcast_in_dim3A_252 = vector.broadcast %jit3A_250 : i32 to vector<16xi32>
        %select_n3A_253 = arith.select %lt3A_248, %broadcast_in_dim3A_251, %broadcast_in_dim3A_252 : vector<16xi1>, vector<16xi32>
        %add3A_254 = arith.addi %add3A_243, %select_n3A_253 : vector<16xi32>
        %add3A_255 = arith.constant 0 : i32
        %add3A_256 = vector.broadcast %add3A_255 : i32 to vector<16xi32>
        %add3A_257 = arith.addi %add3A_254, %add3A_256 : vector<16xi32>
        %gather3A_258 = tpu.vector_load_idx %arg6[%add3A_257] : memref<1024xf32, #tpu.memory_space<vmem>>[vector<16xi32>], vector<16xf32>,
        %lt3A_259 = arith.cmpf olt, %gather3A_258, %get3A_153 : vector<16xf32>
        %jit3A_260 = arith.constant 1 : i32
        %jit3A_261 = arith.constant 0 : i32
        %broadcast_in_dim3A_262 = vector.broadcast %jit3A_260 : i32 to vector<16xi32>
        %broadcast_in_dim3A_263 = vector.broadcast %jit3A_261 : i32 to vector<16xi32>
        %select_n3A_264 = arith.select %lt3A_259, %broadcast_in_dim3A_262, %broadcast_in_dim3A_263 : vector<16xi1>, vector<16xi32>
        %add3A_265 = arith.addi %add3A_254, %select_n3A_264 : vector<16xi32>
        %jit3A_266 = arith.constant 1 : i32
        %jit3A_267 = arith.constant 1023 : i32
        %max3A_268 = vector.broadcast %jit3A_266 : i32 to vector<16xi32>
        %max3A_269 = arith.maxsi %max3A_268, %add3A_265 : vector<16xi32>
        %min3A_270 = vector.broadcast %jit3A_267 : i32 to vector<16xi32>
        %min3A_271 = arith.minsi %min3A_270, %max3A_269 : vector<16xi32>
        %sub3A_272 = arith.constant 1 : i32
        %sub3A_273 = vector.broadcast %sub3A_272 : i32 to vector<16xi32>
        %sub3A_274 = arith.subi %min3A_271, %sub3A_273 : vector<16xi32>
        %gather3A_275 = tpu.vector_load_idx %arg6[%sub3A_274] : memref<1024xf32, #tpu.memory_space<vmem>>[vector<16xi32>], vector<16xf32>,
        %gather3A_276 = tpu.vector_load_idx %arg6[%min3A_271] : memref<1024xf32, #tpu.memory_space<vmem>>[vector<16xi32>], vector<16xf32>,
        %sub3A_277 = arith.subf %get3A_153, %gather3A_275 : vector<16xf32>
        %abs3A_278 = math.absf %sub3A_277 : vector<16xf32>
        %sub3A_279 = arith.subf %get3A_153, %gather3A_276 : vector<16xf32>
        %abs3A_280 = math.absf %sub3A_279 : vector<16xf32>
        %lt3A_281 = arith.cmpf olt, %abs3A_278, %abs3A_280 : vector<16xf32>
        %sub3A_282 = arith.constant 1 : i32
        %sub3A_283 = vector.broadcast %sub3A_282 : i32 to vector<16xi32>
        %sub3A_284 = arith.subi %min3A_271, %sub3A_283 : vector<16xi32>
        %select_n3A_285 = arith.select %lt3A_281, %sub3A_284, %min3A_271 : vector<16xi1>, vector<16xi32>
        %gather3A_286 = tpu.vector_load_idx %arg7[%select_n3A_285] : memref<1024xf32, #tpu.memory_space<vmem>>[vector<16xi32>], vector<16xf32>,
        %swap3A_287 = arith.index_cast %multiple_of3A_151 : i32 to index
        %swap3A_288 = tpu.vector_load %arg9[%swap3A_287] {strides = array<i32>} : memref<16384xf32, #tpu.memory_space<vmem>>, vector<16xf32>,
        tpu.vector_store %arg9[%swap3A_287], %gather3A_286 {strides = array<i32>} : memref<16384xf32, #tpu.memory_space<vmem>>, vector<16xf32>,
        %scan3A_289 = arith.constant 2 : i32
        %scan3A_290 = arith.addi %scan3A_18, %scan3A_289 : i32
        %mul3A_291 = arith.constant 16 : i32
        %mul3A_292 = arith.muli %scan3A_290, %mul3A_291 : i32
        %multiple_of3A_293 = tpu.assume_multiple %mul3A_292, 16 : i32
        %get3A_294 = arith.index_cast %multiple_of3A_293 : i32 to index
        %get3A_295 = tpu.vector_load %arg8[%get3A_294] {strides = array<i32>} : memref<16384xf32, #tpu.memory_space<vmem>>, vector<16xf32>,
        %broadcast_in_dim3A_296 = arith.constant 0 : i32
        %broadcast_in_dim3A_297 = vector.broadcast %broadcast_in_dim3A_296 : i32 to vector<16xi32>
        %add3A_298 = arith.constant 511 : i32
        %add3A_299 = vector.broadcast %add3A_298 : i32 to vector<16xi32>
        %add3A_300 = arith.addi %broadcast_in_dim3A_297, %add3A_299 : vector<16xi32>
        %gather3A_301 = tpu.vector_load_idx %arg6[%add3A_300] : memref<1024xf32, #tpu.memory_space<vmem>>[vector<16xi32>], vector<16xf32>,
        %lt3A_302 = arith.cmpf olt, %gather3A_301, %get3A_295 : vector<16xf32>
        %jit3A_303 = arith.constant 512 : i32
        %jit3A_304 = arith.constant 0 : i32
        %broadcast_in_dim3A_305 = vector.broadcast %jit3A_303 : i32 to vector<16xi32>
        %broadcast_in_dim3A_306 = vector.broadcast %jit3A_304 : i32 to vector<16xi32>
        %select_n3A_307 = arith.select %lt3A_302, %broadcast_in_dim3A_305, %broadcast_in_dim3A_306 : vector<16xi1>, vector<16xi32>
        %add3A_308 = arith.addi %broadcast_in_dim3A_297, %select_n3A_307 : vector<16xi32>
        %add3A_309 = arith.constant 255 : i32
        %add3A_310 = vector.broadcast %add3A_309 : i32 to vector<16xi32>
        %add3A_311 = arith.addi %add3A_308, %add3A_310 : vector<16xi32>
        %gather3A_312 = tpu.vector_load_idx %arg6[%add3A_311] : memref<1024xf32, #tpu.memory_space<vmem>>[vector<16xi32>], vector<16xf32>,
        %lt3A_313 = arith.cmpf olt, %gather3A_312, %get3A_295 : vector<16xf32>
        %jit3A_314 = arith.constant 256 : i32
        %jit3A_315 = arith.constant 0 : i32
        %broadcast_in_dim3A_316 = vector.broadcast %jit3A_314 : i32 to vector<16xi32>
        %broadcast_in_dim3A_317 = vector.broadcast %jit3A_315 : i32 to vector<16xi32>
        %select_n3A_318 = arith.select %lt3A_313, %broadcast_in_dim3A_316, %broadcast_in_dim3A_317 : vector<16xi1>, vector<16xi32>
        %add3A_319 = arith.addi %add3A_308, %select_n3A_318 : vector<16xi32>
        %add3A_320 = arith.constant 127 : i32
        %add3A_321 = vector.broadcast %add3A_320 : i32 to vector<16xi32>
        %add3A_322 = arith.addi %add3A_319, %add3A_321 : vector<16xi32>
        %gather3A_323 = tpu.vector_load_idx %arg6[%add3A_322] : memref<1024xf32, #tpu.memory_space<vmem>>[vector<16xi32>], vector<16xf32>,
        %lt3A_324 = arith.cmpf olt, %gather3A_323, %get3A_295 : vector<16xf32>
        %jit3A_325 = arith.constant 128 : i32
        %jit3A_326 = arith.constant 0 : i32
        %broadcast_in_dim3A_327 = vector.broadcast %jit3A_325 : i32 to vector<16xi32>
        %broadcast_in_dim3A_328 = vector.broadcast %jit3A_326 : i32 to vector<16xi32>
        %select_n3A_329 = arith.select %lt3A_324, %broadcast_in_dim3A_327, %broadcast_in_dim3A_328 : vector<16xi1>, vector<16xi32>
        %add3A_330 = arith.addi %add3A_319, %select_n3A_329 : vector<16xi32>
        %add3A_331 = arith.constant 63 : i32
        %add3A_332 = vector.broadcast %add3A_331 : i32 to vector<16xi32>
        %add3A_333 = arith.addi %add3A_330, %add3A_332 : vector<16xi32>
        %gather3A_334 = tpu.vector_load_idx %arg6[%add3A_333] : memref<1024xf32, #tpu.memory_space<vmem>>[vector<16xi32>], vector<16xf32>,
        %lt3A_335 = arith.cmpf olt, %gather3A_334, %get3A_295 : vector<16xf32>
        %jit3A_336 = arith.constant 64 : i32
        %jit3A_337 = arith.constant 0 : i32
        %broadcast_in_dim3A_338 = vector.broadcast %jit3A_336 : i32 to vector<16xi32>
        %broadcast_in_dim3A_339 = vector.broadcast %jit3A_337 : i32 to vector<16xi32>
        %select_n3A_340 = arith.select %lt3A_335, %broadcast_in_dim3A_338, %broadcast_in_dim3A_339 : vector<16xi1>, vector<16xi32>
        %add3A_341 = arith.addi %add3A_330, %select_n3A_340 : vector<16xi32>
        %add3A_342 = arith.constant 31 : i32
        %add3A_343 = vector.broadcast %add3A_342 : i32 to vector<16xi32>
        %add3A_344 = arith.addi %add3A_341, %add3A_343 : vector<16xi32>
        %gather3A_345 = tpu.vector_load_idx %arg6[%add3A_344] : memref<1024xf32, #tpu.memory_space<vmem>>[vector<16xi32>], vector<16xf32>,
        %lt3A_346 = arith.cmpf olt, %gather3A_345, %get3A_295 : vector<16xf32>
        %jit3A_347 = arith.constant 32 : i32
        %jit3A_348 = arith.constant 0 : i32
        %broadcast_in_dim3A_349 = vector.broadcast %jit3A_347 : i32 to vector<16xi32>
        %broadcast_in_dim3A_350 = vector.broadcast %jit3A_348 : i32 to vector<16xi32>
        %select_n3A_351 = arith.select %lt3A_346, %broadcast_in_dim3A_349, %broadcast_in_dim3A_350 : vector<16xi1>, vector<16xi32>
        %add3A_352 = arith.addi %add3A_341, %select_n3A_351 : vector<16xi32>
        %add3A_353 = arith.constant 15 : i32
        %add3A_354 = vector.broadcast %add3A_353 : i32 to vector<16xi32>
        %add3A_355 = arith.addi %add3A_352, %add3A_354 : vector<16xi32>
        %gather3A_356 = tpu.vector_load_idx %arg6[%add3A_355] : memref<1024xf32, #tpu.memory_space<vmem>>[vector<16xi32>], vector<16xf32>,
        %lt3A_357 = arith.cmpf olt, %gather3A_356, %get3A_295 : vector<16xf32>
        %jit3A_358 = arith.constant 16 : i32
        %jit3A_359 = arith.constant 0 : i32
        %broadcast_in_dim3A_360 = vector.broadcast %jit3A_358 : i32 to vector<16xi32>
        %broadcast_in_dim3A_361 = vector.broadcast %jit3A_359 : i32 to vector<16xi32>
        %select_n3A_362 = arith.select %lt3A_357, %broadcast_in_dim3A_360, %broadcast_in_dim3A_361 : vector<16xi1>, vector<16xi32>
        %add3A_363 = arith.addi %add3A_352, %select_n3A_362 : vector<16xi32>
        %add3A_364 = arith.constant 7 : i32
        %add3A_365 = vector.broadcast %add3A_364 : i32 to vector<16xi32>
        %add3A_366 = arith.addi %add3A_363, %add3A_365 : vector<16xi32>
        %gather3A_367 = tpu.vector_load_idx %arg6[%add3A_366] : memref<1024xf32, #tpu.memory_space<vmem>>[vector<16xi32>], vector<16xf32>,
        %lt3A_368 = arith.cmpf olt, %gather3A_367, %get3A_295 : vector<16xf32>
        %jit3A_369 = arith.constant 8 : i32
        %jit3A_370 = arith.constant 0 : i32
        %broadcast_in_dim3A_371 = vector.broadcast %jit3A_369 : i32 to vector<16xi32>
        %broadcast_in_dim3A_372 = vector.broadcast %jit3A_370 : i32 to vector<16xi32>
        %select_n3A_373 = arith.select %lt3A_368, %broadcast_in_dim3A_371, %broadcast_in_dim3A_372 : vector<16xi1>, vector<16xi32>
        %add3A_374 = arith.addi %add3A_363, %select_n3A_373 : vector<16xi32>
        %add3A_375 = arith.constant 3 : i32
        %add3A_376 = vector.broadcast %add3A_375 : i32 to vector<16xi32>
        %add3A_377 = arith.addi %add3A_374, %add3A_376 : vector<16xi32>
        %gather3A_378 = tpu.vector_load_idx %arg6[%add3A_377] : memref<1024xf32, #tpu.memory_space<vmem>>[vector<16xi32>], vector<16xf32>,
        %lt3A_379 = arith.cmpf olt, %gather3A_378, %get3A_295 : vector<16xf32>
        %jit3A_380 = arith.constant 4 : i32
        %jit3A_381 = arith.constant 0 : i32
        %broadcast_in_dim3A_382 = vector.broadcast %jit3A_380 : i32 to vector<16xi32>
        %broadcast_in_dim3A_383 = vector.broadcast %jit3A_381 : i32 to vector<16xi32>
        %select_n3A_384 = arith.select %lt3A_379, %broadcast_in_dim3A_382, %broadcast_in_dim3A_383 : vector<16xi1>, vector<16xi32>
        %add3A_385 = arith.addi %add3A_374, %select_n3A_384 : vector<16xi32>
        %add3A_386 = arith.constant 1 : i32
        %add3A_387 = vector.broadcast %add3A_386 : i32 to vector<16xi32>
        %add3A_388 = arith.addi %add3A_385, %add3A_387 : vector<16xi32>
        %gather3A_389 = tpu.vector_load_idx %arg6[%add3A_388] : memref<1024xf32, #tpu.memory_space<vmem>>[vector<16xi32>], vector<16xf32>,
        %lt3A_390 = arith.cmpf olt, %gather3A_389, %get3A_295 : vector<16xf32>
        %jit3A_391 = arith.constant 2 : i32
        %jit3A_392 = arith.constant 0 : i32
        %broadcast_in_dim3A_393 = vector.broadcast %jit3A_391 : i32 to vector<16xi32>
        %broadcast_in_dim3A_394 = vector.broadcast %jit3A_392 : i32 to vector<16xi32>
        %select_n3A_395 = arith.select %lt3A_390, %broadcast_in_dim3A_393, %broadcast_in_dim3A_394 : vector<16xi1>, vector<16xi32>
        %add3A_396 = arith.addi %add3A_385, %select_n3A_395 : vector<16xi32>
        %add3A_397 = arith.constant 0 : i32
        %add3A_398 = vector.broadcast %add3A_397 : i32 to vector<16xi32>
        %add3A_399 = arith.addi %add3A_396, %add3A_398 : vector<16xi32>
        %gather3A_400 = tpu.vector_load_idx %arg6[%add3A_399] : memref<1024xf32, #tpu.memory_space<vmem>>[vector<16xi32>], vector<16xf32>,
        %lt3A_401 = arith.cmpf olt, %gather3A_400, %get3A_295 : vector<16xf32>
        %jit3A_402 = arith.constant 1 : i32
        %jit3A_403 = arith.constant 0 : i32
        %broadcast_in_dim3A_404 = vector.broadcast %jit3A_402 : i32 to vector<16xi32>
        %broadcast_in_dim3A_405 = vector.broadcast %jit3A_403 : i32 to vector<16xi32>
        %select_n3A_406 = arith.select %lt3A_401, %broadcast_in_dim3A_404, %broadcast_in_dim3A_405 : vector<16xi1>, vector<16xi32>
        %add3A_407 = arith.addi %add3A_396, %select_n3A_406 : vector<16xi32>
        %jit3A_408 = arith.constant 1 : i32
        %jit3A_409 = arith.constant 1023 : i32
        %max3A_410 = vector.broadcast %jit3A_408 : i32 to vector<16xi32>
        %max3A_411 = arith.maxsi %max3A_410, %add3A_407 : vector<16xi32>
        %min3A_412 = vector.broadcast %jit3A_409 : i32 to vector<16xi32>
        %min3A_413 = arith.minsi %min3A_412, %max3A_411 : vector<16xi32>
        %sub3A_414 = arith.constant 1 : i32
        %sub3A_415 = vector.broadcast %sub3A_414 : i32 to vector<16xi32>
        %sub3A_416 = arith.subi %min3A_413, %sub3A_415 : vector<16xi32>
        %gather3A_417 = tpu.vector_load_idx %arg6[%sub3A_416] : memref<1024xf32, #tpu.memory_space<vmem>>[vector<16xi32>], vector<16xf32>,
        %gather3A_418 = tpu.vector_load_idx %arg6[%min3A_413] : memref<1024xf32, #tpu.memory_space<vmem>>[vector<16xi32>], vector<16xf32>,
        %sub3A_419 = arith.subf %get3A_295, %gather3A_417 : vector<16xf32>
        %abs3A_420 = math.absf %sub3A_419 : vector<16xf32>
        %sub3A_421 = arith.subf %get3A_295, %gather3A_418 : vector<16xf32>
        %abs3A_422 = math.absf %sub3A_421 : vector<16xf32>
        %lt3A_423 = arith.cmpf olt, %abs3A_420, %abs3A_422 : vector<16xf32>
        %sub3A_424 = arith.constant 1 : i32
        %sub3A_425 = vector.broadcast %sub3A_424 : i32 to vector<16xi32>
        %sub3A_426 = arith.subi %min3A_413, %sub3A_425 : vector<16xi32>
        %select_n3A_427 = arith.select %lt3A_423, %sub3A_426, %min3A_413 : vector<16xi1>, vector<16xi32>
        %gather3A_428 = tpu.vector_load_idx %arg7[%select_n3A_427] : memref<1024xf32, #tpu.memory_space<vmem>>[vector<16xi32>], vector<16xf32>,
        %swap3A_429 = arith.index_cast %multiple_of3A_293 : i32 to index
        %swap3A_430 = tpu.vector_load %arg9[%swap3A_429] {strides = array<i32>} : memref<16384xf32, #tpu.memory_space<vmem>>, vector<16xf32>,
        tpu.vector_store %arg9[%swap3A_429], %gather3A_428 {strides = array<i32>} : memref<16384xf32, #tpu.memory_space<vmem>>, vector<16xf32>,
        %scan3A_431 = arith.constant 3 : i32
        %scan3A_432 = arith.addi %scan3A_18, %scan3A_431 : i32
        %mul3A_433 = arith.constant 16 : i32
        %mul3A_434 = arith.muli %scan3A_432, %mul3A_433 : i32
        %multiple_of3A_435 = tpu.assume_multiple %mul3A_434, 16 : i32
        %get3A_436 = arith.index_cast %multiple_of3A_435 : i32 to index
        %get3A_437 = tpu.vector_load %arg8[%get3A_436] {strides = array<i32>} : memref<16384xf32, #tpu.memory_space<vmem>>, vector<16xf32>,
        %broadcast_in_dim3A_438 = arith.constant 0 : i32
        %broadcast_in_dim3A_439 = vector.broadcast %broadcast_in_dim3A_438 : i32 to vector<16xi32>
        %add3A_440 = arith.constant 511 : i32
        %add3A_441 = vector.broadcast %add3A_440 : i32 to vector<16xi32>
        %add3A_442 = arith.addi %broadcast_in_dim3A_439, %add3A_441 : vector<16xi32>
        %gather3A_443 = tpu.vector_load_idx %arg6[%add3A_442] : memref<1024xf32, #tpu.memory_space<vmem>>[vector<16xi32>], vector<16xf32>,
        %lt3A_444 = arith.cmpf olt, %gather3A_443, %get3A_437 : vector<16xf32>
        %jit3A_445 = arith.constant 512 : i32
        %jit3A_446 = arith.constant 0 : i32
        %broadcast_in_dim3A_447 = vector.broadcast %jit3A_445 : i32 to vector<16xi32>
        %broadcast_in_dim3A_448 = vector.broadcast %jit3A_446 : i32 to vector<16xi32>
        %select_n3A_449 = arith.select %lt3A_444, %broadcast_in_dim3A_447, %broadcast_in_dim3A_448 : vector<16xi1>, vector<16xi32>
        %add3A_450 = arith.addi %broadcast_in_dim3A_439, %select_n3A_449 : vector<16xi32>
        %add3A_451 = arith.constant 255 : i32
        %add3A_452 = vector.broadcast %add3A_451 : i32 to vector<16xi32>
        %add3A_453 = arith.addi %add3A_450, %add3A_452 : vector<16xi32>
        %gather3A_454 = tpu.vector_load_idx %arg6[%add3A_453] : memref<1024xf32, #tpu.memory_space<vmem>>[vector<16xi32>], vector<16xf32>,
        %lt3A_455 = arith.cmpf olt, %gather3A_454, %get3A_437 : vector<16xf32>
        %jit3A_456 = arith.constant 256 : i32
        %jit3A_457 = arith.constant 0 : i32
        %broadcast_in_dim3A_458 = vector.broadcast %jit3A_456 : i32 to vector<16xi32>
        %broadcast_in_dim3A_459 = vector.broadcast %jit3A_457 : i32 to vector<16xi32>
        %select_n3A_460 = arith.select %lt3A_455, %broadcast_in_dim3A_458, %broadcast_in_dim3A_459 : vector<16xi1>, vector<16xi32>
        %add3A_461 = arith.addi %add3A_450, %select_n3A_460 : vector<16xi32>
        %add3A_462 = arith.constant 127 : i32
        %add3A_463 = vector.broadcast %add3A_462 : i32 to vector<16xi32>
        %add3A_464 = arith.addi %add3A_461, %add3A_463 : vector<16xi32>
        %gather3A_465 = tpu.vector_load_idx %arg6[%add3A_464] : memref<1024xf32, #tpu.memory_space<vmem>>[vector<16xi32>], vector<16xf32>,
        %lt3A_466 = arith.cmpf olt, %gather3A_465, %get3A_437 : vector<16xf32>
        %jit3A_467 = arith.constant 128 : i32
        %jit3A_468 = arith.constant 0 : i32
        %broadcast_in_dim3A_469 = vector.broadcast %jit3A_467 : i32 to vector<16xi32>
        %broadcast_in_dim3A_470 = vector.broadcast %jit3A_468 : i32 to vector<16xi32>
        %select_n3A_471 = arith.select %lt3A_466, %broadcast_in_dim3A_469, %broadcast_in_dim3A_470 : vector<16xi1>, vector<16xi32>
        %add3A_472 = arith.addi %add3A_461, %select_n3A_471 : vector<16xi32>
        %add3A_473 = arith.constant 63 : i32
        %add3A_474 = vector.broadcast %add3A_473 : i32 to vector<16xi32>
        %add3A_475 = arith.addi %add3A_472, %add3A_474 : vector<16xi32>
        %gather3A_476 = tpu.vector_load_idx %arg6[%add3A_475] : memref<1024xf32, #tpu.memory_space<vmem>>[vector<16xi32>], vector<16xf32>,
        %lt3A_477 = arith.cmpf olt, %gather3A_476, %get3A_437 : vector<16xf32>
        %jit3A_478 = arith.constant 64 : i32
        %jit3A_479 = arith.constant 0 : i32
        %broadcast_in_dim3A_480 = vector.broadcast %jit3A_478 : i32 to vector<16xi32>
        %broadcast_in_dim3A_481 = vector.broadcast %jit3A_479 : i32 to vector<16xi32>
        %select_n3A_482 = arith.select %lt3A_477, %broadcast_in_dim3A_480, %broadcast_in_dim3A_481 : vector<16xi1>, vector<16xi32>
        %add3A_483 = arith.addi %add3A_472, %select_n3A_482 : vector<16xi32>
        %add3A_484 = arith.constant 31 : i32
        %add3A_485 = vector.broadcast %add3A_484 : i32 to vector<16xi32>
        %add3A_486 = arith.addi %add3A_483, %add3A_485 : vector<16xi32>
        %gather3A_487 = tpu.vector_load_idx %arg6[%add3A_486] : memref<1024xf32, #tpu.memory_space<vmem>>[vector<16xi32>], vector<16xf32>,
        %lt3A_488 = arith.cmpf olt, %gather3A_487, %get3A_437 : vector<16xf32>
        %jit3A_489 = arith.constant 32 : i32
        %jit3A_490 = arith.constant 0 : i32
        %broadcast_in_dim3A_491 = vector.broadcast %jit3A_489 : i32 to vector<16xi32>
        %broadcast_in_dim3A_492 = vector.broadcast %jit3A_490 : i32 to vector<16xi32>
        %select_n3A_493 = arith.select %lt3A_488, %broadcast_in_dim3A_491, %broadcast_in_dim3A_492 : vector<16xi1>, vector<16xi32>
        %add3A_494 = arith.addi %add3A_483, %select_n3A_493 : vector<16xi32>
        %add3A_495 = arith.constant 15 : i32
        %add3A_496 = vector.broadcast %add3A_495 : i32 to vector<16xi32>
        %add3A_497 = arith.addi %add3A_494, %add3A_496 : vector<16xi32>
        %gather3A_498 = tpu.vector_load_idx %arg6[%add3A_497] : memref<1024xf32, #tpu.memory_space<vmem>>[vector<16xi32>], vector<16xf32>,
        %lt3A_499 = arith.cmpf olt, %gather3A_498, %get3A_437 : vector<16xf32>
        %jit3A_500 = arith.constant 16 : i32
        %jit3A_501 = arith.constant 0 : i32
        %broadcast_in_dim3A_502 = vector.broadcast %jit3A_500 : i32 to vector<16xi32>
        %broadcast_in_dim3A_503 = vector.broadcast %jit3A_501 : i32 to vector<16xi32>
        %select_n3A_504 = arith.select %lt3A_499, %broadcast_in_dim3A_502, %broadcast_in_dim3A_503 : vector<16xi1>, vector<16xi32>
        %add3A_505 = arith.addi %add3A_494, %select_n3A_504 : vector<16xi32>
        %add3A_506 = arith.constant 7 : i32
        %add3A_507 = vector.broadcast %add3A_506 : i32 to vector<16xi32>
        %add3A_508 = arith.addi %add3A_505, %add3A_507 : vector<16xi32>
        %gather3A_509 = tpu.vector_load_idx %arg6[%add3A_508] : memref<1024xf32, #tpu.memory_space<vmem>>[vector<16xi32>], vector<16xf32>,
        %lt3A_510 = arith.cmpf olt, %gather3A_509, %get3A_437 : vector<16xf32>
        %jit3A_511 = arith.constant 8 : i32
        %jit3A_512 = arith.constant 0 : i32
        %broadcast_in_dim3A_513 = vector.broadcast %jit3A_511 : i32 to vector<16xi32>
        %broadcast_in_dim3A_514 = vector.broadcast %jit3A_512 : i32 to vector<16xi32>
        %select_n3A_515 = arith.select %lt3A_510, %broadcast_in_dim3A_513, %broadcast_in_dim3A_514 : vector<16xi1>, vector<16xi32>
        %add3A_516 = arith.addi %add3A_505, %select_n3A_515 : vector<16xi32>
        %add3A_517 = arith.constant 3 : i32
        %add3A_518 = vector.broadcast %add3A_517 : i32 to vector<16xi32>
        %add3A_519 = arith.addi %add3A_516, %add3A_518 : vector<16xi32>
        %gather3A_520 = tpu.vector_load_idx %arg6[%add3A_519] : memref<1024xf32, #tpu.memory_space<vmem>>[vector<16xi32>], vector<16xf32>,
        %lt3A_521 = arith.cmpf olt, %gather3A_520, %get3A_437 : vector<16xf32>
        %jit3A_522 = arith.constant 4 : i32
        %jit3A_523 = arith.constant 0 : i32
        %broadcast_in_dim3A_524 = vector.broadcast %jit3A_522 : i32 to vector<16xi32>
        %broadcast_in_dim3A_525 = vector.broadcast %jit3A_523 : i32 to vector<16xi32>
        %select_n3A_526 = arith.select %lt3A_521, %broadcast_in_dim3A_524, %broadcast_in_dim3A_525 : vector<16xi1>, vector<16xi32>
        %add3A_527 = arith.addi %add3A_516, %select_n3A_526 : vector<16xi32>
        %add3A_528 = arith.constant 1 : i32
        %add3A_529 = vector.broadcast %add3A_528 : i32 to vector<16xi32>
        %add3A_530 = arith.addi %add3A_527, %add3A_529 : vector<16xi32>
        %gather3A_531 = tpu.vector_load_idx %arg6[%add3A_530] : memref<1024xf32, #tpu.memory_space<vmem>>[vector<16xi32>], vector<16xf32>,
        %lt3A_532 = arith.cmpf olt, %gather3A_531, %get3A_437 : vector<16xf32>
        %jit3A_533 = arith.constant 2 : i32
        %jit3A_534 = arith.constant 0 : i32
        %broadcast_in_dim3A_535 = vector.broadcast %jit3A_533 : i32 to vector<16xi32>
        %broadcast_in_dim3A_536 = vector.broadcast %jit3A_534 : i32 to vector<16xi32>
        %select_n3A_537 = arith.select %lt3A_532, %broadcast_in_dim3A_535, %broadcast_in_dim3A_536 : vector<16xi1>, vector<16xi32>
        %add3A_538 = arith.addi %add3A_527, %select_n3A_537 : vector<16xi32>
        %add3A_539 = arith.constant 0 : i32
        %add3A_540 = vector.broadcast %add3A_539 : i32 to vector<16xi32>
        %add3A_541 = arith.addi %add3A_538, %add3A_540 : vector<16xi32>
        %gather3A_542 = tpu.vector_load_idx %arg6[%add3A_541] : memref<1024xf32, #tpu.memory_space<vmem>>[vector<16xi32>], vector<16xf32>,
        %lt3A_543 = arith.cmpf olt, %gather3A_542, %get3A_437 : vector<16xf32>
        %jit3A_544 = arith.constant 1 : i32
        %jit3A_545 = arith.constant 0 : i32
        %broadcast_in_dim3A_546 = vector.broadcast %jit3A_544 : i32 to vector<16xi32>
        %broadcast_in_dim3A_547 = vector.broadcast %jit3A_545 : i32 to vector<16xi32>
        %select_n3A_548 = arith.select %lt3A_543, %broadcast_in_dim3A_546, %broadcast_in_dim3A_547 : vector<16xi1>, vector<16xi32>
        %add3A_549 = arith.addi %add3A_538, %select_n3A_548 : vector<16xi32>
        %jit3A_550 = arith.constant 1 : i32
        %jit3A_551 = arith.constant 1023 : i32
        %max3A_552 = vector.broadcast %jit3A_550 : i32 to vector<16xi32>
        %max3A_553 = arith.maxsi %max3A_552, %add3A_549 : vector<16xi32>
        %min3A_554 = vector.broadcast %jit3A_551 : i32 to vector<16xi32>
        %min3A_555 = arith.minsi %min3A_554, %max3A_553 : vector<16xi32>
        %sub3A_556 = arith.constant 1 : i32
        %sub3A_557 = vector.broadcast %sub3A_556 : i32 to vector<16xi32>
        %sub3A_558 = arith.subi %min3A_555, %sub3A_557 : vector<16xi32>
        %gather3A_559 = tpu.vector_load_idx %arg6[%sub3A_558] : memref<1024xf32, #tpu.memory_space<vmem>>[vector<16xi32>], vector<16xf32>,
        %gather3A_560 = tpu.vector_load_idx %arg6[%min3A_555] : memref<1024xf32, #tpu.memory_space<vmem>>[vector<16xi32>], vector<16xf32>,
        %sub3A_561 = arith.subf %get3A_437, %gather3A_559 : vector<16xf32>
        %abs3A_562 = math.absf %sub3A_561 : vector<16xf32>
        %sub3A_563 = arith.subf %get3A_437, %gather3A_560 : vector<16xf32>
        %abs3A_564 = math.absf %sub3A_563 : vector<16xf32>
        %lt3A_565 = arith.cmpf olt, %abs3A_562, %abs3A_564 : vector<16xf32>
        %sub3A_566 = arith.constant 1 : i32
        %sub3A_567 = vector.broadcast %sub3A_566 : i32 to vector<16xi32>
        %sub3A_568 = arith.subi %min3A_555, %sub3A_567 : vector<16xi32>
        %select_n3A_569 = arith.select %lt3A_565, %sub3A_568, %min3A_555 : vector<16xi1>, vector<16xi32>
        %gather3A_570 = tpu.vector_load_idx %arg7[%select_n3A_569] : memref<1024xf32, #tpu.memory_space<vmem>>[vector<16xi32>], vector<16xf32>,
        %swap3A_571 = arith.index_cast %multiple_of3A_435 : i32 to index
        %swap3A_572 = tpu.vector_load %arg9[%swap3A_571] {strides = array<i32>} : memref<16384xf32, #tpu.memory_space<vmem>>, vector<16xf32>,
        tpu.vector_store %arg9[%swap3A_571], %gather3A_570 {strides = array<i32>} : memref<16384xf32, #tpu.memory_space<vmem>>, vector<16xf32>,
      }
      %scan3A_17 = arith.constant 1024 : i32
      "tpu.region"() ({
        %run_scoped3A = tpu.sem_alloc : memref<!tpu.dma_semaphore, #tpu.memory_space<semaphore_mem>>
        %dma_start3A = tpu.memref_slice %arg5[%add3A_11] : memref<33554432xf32, #tpu.memory_space<hbm>> -> memref<16384xf32, #tpu.memory_space<hbm>>
        %dma_start3A_18 = tpu.memref_slice %arg5[%add3A_11] : memref<33554432xf32, #tpu.memory_space<hbm>> -> memref<16384xf32, #tpu.memory_space<hbm>>
        tpu.enqueue_dma source(%arg9 : memref<16384xf32, #tpu.memory_space<vmem>>) target(%dma_start3A_18 : memref<16384xf32, #tpu.memory_space<hbm>>) target_semaphore(%run_scoped3A : memref<!tpu.dma_semaphore, #tpu.memory_space<semaphore_mem>>)
        %dma_wait3A = tpu.memref_slice %arg5[%add3A_11] : memref<33554432xf32, #tpu.memory_space<hbm>> -> memref<16384xf32, #tpu.memory_space<hbm>>
        %dma_wait3A_19 = tpu.memref_slice %arg5[%add3A_11] : memref<33554432xf32, #tpu.memory_space<hbm>> -> memref<16384xf32, #tpu.memory_space<hbm>>
        tpu.wait_dma2 semaphore(%run_scoped3A : memref<!tpu.dma_semaphore, #tpu.memory_space<semaphore_mem>>) src(%arg9 : memref<16384xf32, #tpu.memory_space<vmem>>) dst(%dma_wait3A_19 : memref<16384xf32, #tpu.memory_space<hbm>>)
        tpu.yield
      }) : () -> ()
    }
    %scan3A_7 = arith.constant 64 : i32
    return
  }
}

module attributes {stable_mosaic.version = 14 : i64} {
  func.func @_table_body(%arg0: memref<1024x9xf32, #tpu.memory_space<vmem>>, %arg1: memref<1x9xf32, #tpu.memory_space<vmem>>, %arg2: memref<1x9xf32, #tpu.memory_space<vmem>>, %arg3: memref<1x1xf32, #tpu.memory_space<vmem>>, %arg4: memref<1024x1xf32, #tpu.memory_space<vmem>>, %arg5: memref<1024x1xf32, #tpu.memory_space<vmem>>) attributes {dimension_semantics = [], scalar_prefetch = 0 : i64, scratch_operands = 0 : i64, tpu.core_type = #tpu.core_type<tc>} {
    %get3A = arith.constant 0 : index
    %get3A_0 = arith.constant 0 : index
    %get3A_1 = vector.load %arg0[%get3A, %get3A_0] : memref<1024x9xf32, #tpu.memory_space<vmem>>, vector<1024x9xf32>
    %get3A_2 = arith.constant 0 : index
    %get3A_3 = arith.constant 0 : index
    %get3A_4 = vector.load %arg1[%get3A_2, %get3A_3] : memref<1x9xf32, #tpu.memory_space<vmem>>, vector<1x9xf32>
    %get3A_5 = arith.constant 0 : index
    %get3A_6 = arith.constant 0 : index
    %get3A_7 = vector.load %arg2[%get3A_5, %get3A_6] : memref<1x9xf32, #tpu.memory_space<vmem>>, vector<1x9xf32>
    %get3A_8 = arith.constant 0 : index
    %get3A_9 = arith.constant 0 : index
    %get3A_10 = vector.load %arg3[%get3A_8, %get3A_9] : memref<1x1xf32, #tpu.memory_space<vmem>>, vector<1x1xf32>
    %get3A_11 = vector.extract %get3A_10[0, 0] : f32 from vector<1x1xf32>
    %slice3A = vector.extract_strided_slice %get3A_4 {offsets = [0, 1], sizes = [1, 1], strides = [1, 1]} : vector<1x9xf32> to vector<1x1xf32>
    %squeeze3A = vector.extract %slice3A[0, 0] : f32 from vector<1x1xf32>
    %slice3A_12 = vector.extract_strided_slice %get3A_1 {offsets = [0, 0], sizes = [1024, 1], strides = [1, 1]} : vector<1024x9xf32> to vector<1024x1xf32>
    %slice3A_13 = vector.extract_strided_slice %get3A_7 {offsets = [0, 1], sizes = [1, 1], strides = [1, 1]} : vector<1x9xf32> to vector<1x1xf32>
    %squeeze3A_14 = vector.extract %slice3A_13[0, 0] : f32 from vector<1x1xf32>
    %ge3A = vector.broadcast %squeeze3A_14 : f32 to vector<1024x1xf32>
    %ge3A_15 = arith.cmpf oge, %slice3A_12, %ge3A : vector<1024x1xf32>
    %convert_element_type3A = arith.extui %ge3A_15 : vector<1024x1xi1> to vector<1024x1xi32>
    %convert_element_type3A_16 = arith.sitofp %convert_element_type3A : vector<1024x1xi32> to vector<1024x1xf32>
    %mul3A = vector.broadcast %squeeze3A : f32 to vector<1024x1xf32>
    %mul3A_17 = arith.mulf %mul3A, %convert_element_type3A_16 : vector<1024x1xf32>
    %slice3A_18 = vector.extract_strided_slice %get3A_4 {offsets = [0, 2], sizes = [1, 1], strides = [1, 1]} : vector<1x9xf32> to vector<1x1xf32>
    %squeeze3A_19 = vector.extract %slice3A_18[0, 0] : f32 from vector<1x1xf32>
    %slice3A_20 = vector.extract_strided_slice %get3A_1 {offsets = [0, 2], sizes = [1024, 1], strides = [1, 1]} : vector<1024x9xf32> to vector<1024x1xf32>
    %slice3A_21 = vector.extract_strided_slice %get3A_7 {offsets = [0, 2], sizes = [1, 1], strides = [1, 1]} : vector<1x9xf32> to vector<1x1xf32>
    %squeeze3A_22 = vector.extract %slice3A_21[0, 0] : f32 from vector<1x1xf32>
    %ge3A_23 = vector.broadcast %squeeze3A_22 : f32 to vector<1024x1xf32>
    %ge3A_24 = arith.cmpf oge, %slice3A_20, %ge3A_23 : vector<1024x1xf32>
    %convert_element_type3A_25 = arith.extui %ge3A_24 : vector<1024x1xi1> to vector<1024x1xi32>
    %convert_element_type3A_26 = arith.sitofp %convert_element_type3A_25 : vector<1024x1xi32> to vector<1024x1xf32>
    %mul3A_27 = vector.broadcast %squeeze3A_19 : f32 to vector<1024x1xf32>
    %mul3A_28 = arith.mulf %mul3A_27, %convert_element_type3A_26 : vector<1024x1xf32>
    %add3A = arith.addf %mul3A_17, %mul3A_28 : vector<1024x1xf32>
    %slice3A_29 = vector.extract_strided_slice %get3A_4 {offsets = [0, 3], sizes = [1, 1], strides = [1, 1]} : vector<1x9xf32> to vector<1x1xf32>
    %squeeze3A_30 = vector.extract %slice3A_29[0, 0] : f32 from vector<1x1xf32>
    %slice3A_31 = vector.extract_strided_slice %get3A_1 {offsets = [0, 3], sizes = [1024, 1], strides = [1, 1]} : vector<1024x9xf32> to vector<1024x1xf32>
    %slice3A_32 = vector.extract_strided_slice %get3A_7 {offsets = [0, 3], sizes = [1, 1], strides = [1, 1]} : vector<1x9xf32> to vector<1x1xf32>
    %squeeze3A_33 = vector.extract %slice3A_32[0, 0] : f32 from vector<1x1xf32>
    %ge3A_34 = vector.broadcast %squeeze3A_33 : f32 to vector<1024x1xf32>
    %ge3A_35 = arith.cmpf oge, %slice3A_31, %ge3A_34 : vector<1024x1xf32>
    %convert_element_type3A_36 = arith.extui %ge3A_35 : vector<1024x1xi1> to vector<1024x1xi32>
    %convert_element_type3A_37 = arith.sitofp %convert_element_type3A_36 : vector<1024x1xi32> to vector<1024x1xf32>
    %mul3A_38 = vector.broadcast %squeeze3A_30 : f32 to vector<1024x1xf32>
    %mul3A_39 = arith.mulf %mul3A_38, %convert_element_type3A_37 : vector<1024x1xf32>
    %add3A_40 = arith.addf %add3A, %mul3A_39 : vector<1024x1xf32>
    %slice3A_41 = vector.extract_strided_slice %get3A_4 {offsets = [0, 4], sizes = [1, 1], strides = [1, 1]} : vector<1x9xf32> to vector<1x1xf32>
    %squeeze3A_42 = vector.extract %slice3A_41[0, 0] : f32 from vector<1x1xf32>
    %slice3A_43 = vector.extract_strided_slice %get3A_1 {offsets = [0, 4], sizes = [1024, 1], strides = [1, 1]} : vector<1024x9xf32> to vector<1024x1xf32>
    %slice3A_44 = vector.extract_strided_slice %get3A_7 {offsets = [0, 4], sizes = [1, 1], strides = [1, 1]} : vector<1x9xf32> to vector<1x1xf32>
    %squeeze3A_45 = vector.extract %slice3A_44[0, 0] : f32 from vector<1x1xf32>
    %ge3A_46 = vector.broadcast %squeeze3A_45 : f32 to vector<1024x1xf32>
    %ge3A_47 = arith.cmpf oge, %slice3A_43, %ge3A_46 : vector<1024x1xf32>
    %convert_element_type3A_48 = arith.extui %ge3A_47 : vector<1024x1xi1> to vector<1024x1xi32>
    %convert_element_type3A_49 = arith.sitofp %convert_element_type3A_48 : vector<1024x1xi32> to vector<1024x1xf32>
    %mul3A_50 = vector.broadcast %squeeze3A_42 : f32 to vector<1024x1xf32>
    %mul3A_51 = arith.mulf %mul3A_50, %convert_element_type3A_49 : vector<1024x1xf32>
    %add3A_52 = arith.addf %add3A_40, %mul3A_51 : vector<1024x1xf32>
    %slice3A_53 = vector.extract_strided_slice %get3A_4 {offsets = [0, 5], sizes = [1, 1], strides = [1, 1]} : vector<1x9xf32> to vector<1x1xf32>
    %squeeze3A_54 = vector.extract %slice3A_53[0, 0] : f32 from vector<1x1xf32>
    %slice3A_55 = vector.extract_strided_slice %get3A_1 {offsets = [0, 5], sizes = [1024, 1], strides = [1, 1]} : vector<1024x9xf32> to vector<1024x1xf32>
    %slice3A_56 = vector.extract_strided_slice %get3A_7 {offsets = [0, 5], sizes = [1, 1], strides = [1, 1]} : vector<1x9xf32> to vector<1x1xf32>
    %squeeze3A_57 = vector.extract %slice3A_56[0, 0] : f32 from vector<1x1xf32>
    %ge3A_58 = vector.broadcast %squeeze3A_57 : f32 to vector<1024x1xf32>
    %ge3A_59 = arith.cmpf oge, %slice3A_55, %ge3A_58 : vector<1024x1xf32>
    %convert_element_type3A_60 = arith.extui %ge3A_59 : vector<1024x1xi1> to vector<1024x1xi32>
    %convert_element_type3A_61 = arith.sitofp %convert_element_type3A_60 : vector<1024x1xi32> to vector<1024x1xf32>
    %mul3A_62 = vector.broadcast %squeeze3A_54 : f32 to vector<1024x1xf32>
    %mul3A_63 = arith.mulf %mul3A_62, %convert_element_type3A_61 : vector<1024x1xf32>
    %add3A_64 = arith.addf %add3A_52, %mul3A_63 : vector<1024x1xf32>
    %slice3A_65 = vector.extract_strided_slice %get3A_4 {offsets = [0, 6], sizes = [1, 1], strides = [1, 1]} : vector<1x9xf32> to vector<1x1xf32>
    %squeeze3A_66 = vector.extract %slice3A_65[0, 0] : f32 from vector<1x1xf32>
    %slice3A_67 = vector.extract_strided_slice %get3A_1 {offsets = [0, 6], sizes = [1024, 1], strides = [1, 1]} : vector<1024x9xf32> to vector<1024x1xf32>
    %slice3A_68 = vector.extract_strided_slice %get3A_7 {offsets = [0, 6], sizes = [1, 1], strides = [1, 1]} : vector<1x9xf32> to vector<1x1xf32>
    %squeeze3A_69 = vector.extract %slice3A_68[0, 0] : f32 from vector<1x1xf32>
    %ge3A_70 = vector.broadcast %squeeze3A_69 : f32 to vector<1024x1xf32>
    %ge3A_71 = arith.cmpf oge, %slice3A_67, %ge3A_70 : vector<1024x1xf32>
    %convert_element_type3A_72 = arith.extui %ge3A_71 : vector<1024x1xi1> to vector<1024x1xi32>
    %convert_element_type3A_73 = arith.sitofp %convert_element_type3A_72 : vector<1024x1xi32> to vector<1024x1xf32>
    %mul3A_74 = vector.broadcast %squeeze3A_66 : f32 to vector<1024x1xf32>
    %mul3A_75 = arith.mulf %mul3A_74, %convert_element_type3A_73 : vector<1024x1xf32>
    %add3A_76 = arith.addf %add3A_64, %mul3A_75 : vector<1024x1xf32>
    %slice3A_77 = vector.extract_strided_slice %get3A_4 {offsets = [0, 7], sizes = [1, 1], strides = [1, 1]} : vector<1x9xf32> to vector<1x1xf32>
    %squeeze3A_78 = vector.extract %slice3A_77[0, 0] : f32 from vector<1x1xf32>
    %slice3A_79 = vector.extract_strided_slice %get3A_1 {offsets = [0, 7], sizes = [1024, 1], strides = [1, 1]} : vector<1024x9xf32> to vector<1024x1xf32>
    %slice3A_80 = vector.extract_strided_slice %get3A_7 {offsets = [0, 7], sizes = [1, 1], strides = [1, 1]} : vector<1x9xf32> to vector<1x1xf32>
    %squeeze3A_81 = vector.extract %slice3A_80[0, 0] : f32 from vector<1x1xf32>
    %ge3A_82 = vector.broadcast %squeeze3A_81 : f32 to vector<1024x1xf32>
    %ge3A_83 = arith.cmpf oge, %slice3A_79, %ge3A_82 : vector<1024x1xf32>
    %convert_element_type3A_84 = arith.extui %ge3A_83 : vector<1024x1xi1> to vector<1024x1xi32>
    %convert_element_type3A_85 = arith.sitofp %convert_element_type3A_84 : vector<1024x1xi32> to vector<1024x1xf32>
    %mul3A_86 = vector.broadcast %squeeze3A_78 : f32 to vector<1024x1xf32>
    %mul3A_87 = arith.mulf %mul3A_86, %convert_element_type3A_85 : vector<1024x1xf32>
    %add3A_88 = arith.addf %add3A_76, %mul3A_87 : vector<1024x1xf32>
    %slice3A_89 = vector.extract_strided_slice %get3A_4 {offsets = [0, 8], sizes = [1, 1], strides = [1, 1]} : vector<1x9xf32> to vector<1x1xf32>
    %squeeze3A_90 = vector.extract %slice3A_89[0, 0] : f32 from vector<1x1xf32>
    %slice3A_91 = vector.extract_strided_slice %get3A_1 {offsets = [0, 8], sizes = [1024, 1], strides = [1, 1]} : vector<1024x9xf32> to vector<1024x1xf32>
    %slice3A_92 = vector.extract_strided_slice %get3A_7 {offsets = [0, 8], sizes = [1, 1], strides = [1, 1]} : vector<1x9xf32> to vector<1x1xf32>
    %squeeze3A_93 = vector.extract %slice3A_92[0, 0] : f32 from vector<1x1xf32>
    %ge3A_94 = vector.broadcast %squeeze3A_93 : f32 to vector<1024x1xf32>
    %ge3A_95 = arith.cmpf oge, %slice3A_91, %ge3A_94 : vector<1024x1xf32>
    %convert_element_type3A_96 = arith.extui %ge3A_95 : vector<1024x1xi1> to vector<1024x1xi32>
    %convert_element_type3A_97 = arith.sitofp %convert_element_type3A_96 : vector<1024x1xi32> to vector<1024x1xf32>
    %mul3A_98 = vector.broadcast %squeeze3A_90 : f32 to vector<1024x1xf32>
    %mul3A_99 = arith.mulf %mul3A_98, %convert_element_type3A_97 : vector<1024x1xf32>
    %add3A_100 = arith.addf %add3A_88, %mul3A_99 : vector<1024x1xf32>
    %sub3A = vector.broadcast %get3A_11 : f32 to vector<1024x1xf32>
    %sub3A_101 = arith.subf %add3A_100, %sub3A : vector<1024x1xf32>
    %swap3A = arith.constant 0 : index
    %swap3A_102 = arith.constant 0 : index
    %swap3A_103 = vector.load %arg5[%swap3A, %swap3A_102] : memref<1024x1xf32, #tpu.memory_space<vmem>>, vector<1024x1xf32>
    tpu.vector_store %arg5[%swap3A, %swap3A_102], %sub3A_101 {strides = array<i32>} : memref<1024x1xf32, #tpu.memory_space<vmem>>, vector<1024x1xf32>,
    %slice3A_104 = vector.extract_strided_slice %get3A_1 {offsets = [0, 0], sizes = [1024, 1], strides = [1, 1]} : vector<1024x9xf32> to vector<1024x1xf32>
    %swap3A_105 = arith.constant 0 : index
    %swap3A_106 = arith.constant 0 : index
    %swap3A_107 = vector.load %arg4[%swap3A_105, %swap3A_106] : memref<1024x1xf32, #tpu.memory_space<vmem>>, vector<1024x1xf32>
    tpu.vector_store %arg4[%swap3A_105, %swap3A_106], %slice3A_104 {strides = array<i32>} : memref<1024x1xf32, #tpu.memory_space<vmem>>, vector<1024x1xf32>,
    return
  }
}

</mosaic_0001>

<sc_bundles>
// kernel: kernel.4.cloned.1.call-start
scs
__scs_entry_jumppad:
0x0: {  	(pc) =	sbr.rel $0x88, $3  }
0x1: {  	(tag) =	ssettag $0x0;
	lr =	simm.s32 $0x1  }
0x2: {  	[smem:$0x3F9C] =	sst lr;
	_ =	strace $0xD0000000  }
0x3: {  	_ = 	snop  }
0x4: {  	_ = 	snop  }
0x5: {  	_ = 	snop  }
0x6: {  	_ = 	snop  }
0x7: {  	_ = 	snop  }
__scs_overlays_trampoline_lowered:
0x8: {  	[smem:$0x3FAB] =	sst s0  }
0x9: {  	[smem:$0x3FAC] =	sst s1  }
0xa: {  	[smem:$0x3FAD] =	sst s2  }
0xb: {  	[smem:$0x3FAE] =	sst s3  }
0xc: {  	[smem:$0x3FAF] =	sst s4  }
0xd: {  	[smem:$0x3FB0] =	sst s5  }
0xe: {  	[smem:$0x3FB1] =	sst s6  }
0xf: {  	[smem:$0x3FB2] =	sst s7  }
0x10: {  	[smem:$0x3FB3] =	sst s8  }
0x11: {  	[smem:$0x3FB4] =	sst s9;
	s0 =	simm.s32 @!p0 $0x0  }
0x12: {  	s1 =	sld [smem:$0x3F9A];
	s0 =	simm.s32 @p0 $0x1  }
0x13: {  	[smem:$0x3FB5] =	sst s0;
	s0 =	simm.s32 @!p1 $0x0  }
0x14: {  	s2 =	sld [smem:$0x3F99];
	s0 =	simm.s32 @p1 $0x1  }
0x15: {  	[smem:$0x3FB6] =	sst s0;
	s0 =	simm.s32 @!p2 $0x0  }
0x16: {  	s3 =	sld [smem:$0x3FDB];
	s0 =	simm.s32 @p2 $0x1  }
0x17: {  	s4 =	simm.s32 $0x1BF5;
	[smem:$0x3FB8] =	sst s0  }
0x18: {  	s0 =	sld [smem:$0x3F9B];
	_ =	swait.ge [sflag:s4], $0x0  }
0x19: {  	s7 =	sld [smem:$0x3F9C]  }
0x1a: {  	s8 =	sadd.s32 $0xFFFFE003, lr  }
0x1b: {  	s9 =	sadd.s32 $0xFFFFFEF7, lr;
	s5 =	simm.s32 $0xFFFFFFFF;
	p2 =	slt.u32 s8, $0xFFFFF086  }
0x1c: {  	p1 =	slt.u32 s9, $0xF7A;
	s5 =	simm.s32 @!p2 $0x0  }
0x1d: {  	s5 =	simm.s32 @p1 $0x1;
	p0 =	seq.s32 s7, s2  }
0x1e: {  	s7 =	smul.u32 @!p0 $0xF7A, s2;
	p2 =	seq.s32 @!p0 s5, $0x0  }
0x1f: {  	s9 =	smul.u32 $0xF7A, s1;
	s8 =	simm.s32 @!p0 $0x1BF5;
	p2 =	por !p2, p0  }
0x20: {  	[sflag:s8] =	ssyncset.s32 @!p0 $0xFFFFF086;
	s6 =	sadd.s32 @!p0 s3, s7;
	s7 =	simm.s32 @!p0 $0x108  }
0x21: {  	s3 =	sadd.s32 s3, s9;
	s6 =	sadd.s32 @!p0 $0x88, s6;
	s7 =	simm.s32 @p2 $0x1082  }
0x22: {  	[simem:s7], [sflag:s8] =	dma.local @!p0 [hbm:s6], $0xF7A  }
0x23: {  	s9 =	sor.u32 $0xD0000000, s2;
	s6 =	simm.s32 $0x108;
	_ =	swait.ge @!p0 [sflag:s8], $0x0  }
0x24: {  	s3 =	sadd.s32 $0x88, s3;
	s6 =	simm.s32 @!p1 $0x1082;
	[sflag:s4] =	ssyncset.s32 $0xFFFFF086  }
0x25: {  	[simem:s6], [sflag:s4] =	dma.local [hbm:s3], $0xF7A  }
0x26: {  	[smem:$0x3F9C] =	sst s1;
	(tag) =	ssettag s2;
	_ =	strace s9  }
0x27: {  	s1 =	sld [smem:$0x3FAC]  }
0x28: {  	s2 =	sld [smem:$0x3FAD]  }
0x29: {  	s4 =	sld [smem:$0x3FAF]  }
0x2a: {  	p0 =	seq.s32 s5, $0x0;
	s5 =	sld [smem:$0x3FB0]  }
0x2b: {  	s6 =	sld [smem:$0x3FB1]  }
0x2c: {  	s7 =	sld [smem:$0x3FB2]  }
0x2d: {  	s3 =	simm.s32 $0x108;
	s8 =	sld [smem:$0x3FB3]  }
0x2e: {  	s3 =	simm.s32 @!p0 $0x1082;
	s9 =	sld [smem:$0x3FB4]  }
0x2f: {  	lr =	sadd.s32 s0, s3;
	s0 =	sld [smem:$0x3FAB]  }
0x30: {  	s3 =	sld [smem:$0x3FAE]  }
0x31: {  	[smem:$0x3FB7] =	sst s10  }
0x32: {  	s10 =	sld [smem:$0x3FB5];
	_ =	sdelay $0x3  }
0x33: {  	p0 =	seq.s32 s10, $0x1;
	s10 =	sld [smem:$0x3FB7];
	_ =	sdelay $0x3  }
0x34: {  	[smem:$0x3FB7] =	sst s10  }
0x35: {  	s10 =	sld [smem:$0x3FB6];
	_ =	sdelay $0x3  }
0x36: {  	p1 =	seq.s32 s10, $0x1;
	s10 =	sld [smem:$0x3FB7];
	_ =	sdelay $0x3  }
0x37: {  	[smem:$0x3FB7] =	sst s10  }
0x38: {  	s10 =	sld [smem:$0x3FB8]  }
0x39: {  	_ = 	snop;
	(pc) =	sbr.ind lr, $3  }
0x3a: {  	_ = 	snop  }
0x3b: {  	_ = 	snop  }
0x3c: {  	p2 =	seq.s32 s10, $0x1;
	s10 =	sld [smem:$0x3FB7]  }
0x3d: {  	_ =	shalt  }
0x3e: {  	_ =	shalt  }
0x3f: {  	_ =	shalt  }
0x40: {  	_ =	shalt  }
0x41: {  	_ =	shalt  }
0x42: {  	_ =	shalt  }
0x43: {  	_ =	shalt  }
0x44: {  	_ =	shalt  }
0x45: {  	_ =	shalt  }
0x46: {  	_ =	shalt  }
0x47: {  	_ =	shalt  }
0x48: {  	_ =	shalt  }
0x49: {  	_ =	shalt  }
0x4a: {  	_ =	shalt  }
0x4b: {  	_ =	shalt  }
0x4c: {  	_ =	shalt  }
0x4d: {  	_ =	shalt  }
0x4e: {  	_ =	shalt  }
0x4f: {  	_ =	shalt  }
0x50: {  	_ =	shalt  }
0x51: {  	_ =	shalt  }
0x52: {  	_ =	shalt  }
0x53: {  	_ =	shalt  }
0x54: {  	_ =	shalt  }
0x55: {  	_ =	shalt  }
0x56: {  	_ =	shalt  }
0x57: {  	_ =	shalt  }
0x58: {  	_ =	shalt  }
0x59: {  	_ =	shalt  }
0x5a: {  	_ =	shalt  }
0x5b: {  	_ =	shalt  }
0x5c: {  	_ =	shalt  }
0x5d: {  	_ =	shalt  }
0x5e: {  	_ =	shalt  }
0x5f: {  	_ =	shalt  }
0x60: {  	_ =	shalt  }
0x61: {  	_ =	shalt  }
0x62: {  	_ =	shalt  }
0x63: {  	_ =	shalt  }
0x64: {  	_ =	shalt  }
0x65: {  	_ =	shalt  }
0x66: {  	_ =	shalt  }
0x67: {  	_ =	shalt  }
0x68: {  	_ =	shalt  }
0x69: {  	_ =	shalt  }
0x6a: {  	_ =	shalt  }
0x6b: {  	_ =	shalt  }
0x6c: {  	_ =	shalt  }
0x6d: {  	_ =	shalt  }
0x6e: {  	_ =	shalt  }
0x6f: {  	_ =	shalt  }
0x70: {  	_ =	shalt  }
0x71: {  	_ =	shalt  }
0x72: {  	_ =	shalt  }
0x73: {  	_ =	shalt  }
0x74: {  	_ =	shalt  }
0x75: {  	_ =	shalt  }
0x76: {  	_ =	shalt  }
0x77: {  	_ =	shalt  }
0x78: {  	_ =	shalt  }
0x79: {  	_ =	shalt  }
0x7a: {  	_ =	shalt  }
0x7b: {  	_ =	shalt  }
0x7c: {  	_ =	shalt  }
0x7d: {  	_ =	shalt  }
0x7e: {  	_ =	shalt  }
0x7f: {  	_ =	shalt  }
0x80: {  	_ =	shalt  }
0x81: {  	_ =	shalt  }
0x82: {  	_ =	shalt  }
0x83: {  	_ =	shalt  }
0x84: {  	_ =	shalt  }
0x85: {  	_ =	shalt  }
0x86: {  	_ =	shalt  }
0x87: {  	_ =	shalt  }
.Lfunc_end0:
.L_simem_size_0:
called_computation.1_lowered:
.L_overlay_start_0:
0x88: {  	s2 =	sld [smem:$0x3FD9]  }
0x89: {  	s3 =	sld [smem:$0x3FFE];
	_ =	sdelay $0x1  }
0x8a: {  	s1 =	srdreg.scid  }
0x8b: {  	s0 =	sand.u32 $0x1, s1  }
0x8c: {  	s17 =	sshll.u32 s0, $0xA;
	s2 =	sadd.s32 s3, s2  }
0x8d: {  	s2 =	sadd.s32 s2, s17  }
0x8e: {  	[smem:$0x3FC3] =	sst s2  }
0x8f: {  	_ = 	snop  }
0x90: {  	s2 =	sld [smem:$0x3FD0];
	(tm) =	ssettm $0x1  }
0x91: {  	s18 =	sld [smem:$0x3FFB];
	_ =	sdelay $0x3  }
0x92: {  	_ =	strace s18  }
0x93: {  	s3 =	sld [smem:$0x3FFC];
	_ =	sdelay $0x3  }
0x94: {  	_ =	strace s3  }
0x95: {  	s3 =	sld [smem:$0x3FFD];
	_ =	sdelay $0x3  }
0x96: {  	_ =	strace s3  }
0x97: {  	_ =	strace $0x8FFFFFFF  }
0x98: {  	s19 =	sld [smem:$0x3FDB];
	_ =	sdelay $0x1  }
0x99: {  	s4 =	simm.s32 $_scs_section_size  }
0x9a: {  	s5 =	simm.s32 $_size__tile_overlayer_lowered;
	s6 =	simm.s32 $_tile_overlayer_lowered  }
0x9b: {  	s22 =	simm.s32 $0x1BFF;
	s21 =	sshll.u32 s6, $0x1;
	s3 =	sadd.s32 s4, s19  }
0x9c: {  	s7 =	simm.s32 $0x0;
	s20 =	sshll.u32 s5, $0x1;
	s5 =	sadd.s32 s21, s3  }
0x9d: {  	[timem:s7], [sflag:s22] =	dma.local [hbm:s5], s20  }
0x9e: {  	_ =	swait.ge [sflag:s22], s20  }
0x9f: {  	s4 =	ssub.s32 $0x0, s20;
	[sflag:s22] =	ssyncset.done $0x0  }
0xa0: {  	[sflag:s22] =	ssyncadd.s32 s4;
	_ =	sdelay $0x1  }
0xa1: {  	s23 =	simm.s32 $0x1B8B  }
0xa2: {  	_ =	swait.ge [sflag:s23], $0x1  }
0xa3: {  	[sflag:s23] =	ssyncset.done $0x0  }
0xa4: {  	s25 =	simm.s32 $0x1B8E;
	s24 =	sld [smem:$0x3FFE];
	[sflag:s23] =	ssyncadd.s32 $0xFFFFFFFF  }
0xa5: {  	s26 =	simm.s32 $execute0_lowered;
	[smem:$0x3FD2] =	sst s25  }
0xa6: {  	s5 =	sshll.u32 s26, $0x1;
	_ =	strace $0x80000049;
	[dreg:$0x1] =	wrdreg $0xFFFFFFFF  }
0xa7: {  	s28 =	simm.s32 $_size_execute0_lowered;
	s3 =	sadd.s32 s3, s5;
	[dreg:$0x0] =	wrdreg $0x0  }
0xa8: {  	s5 =	sshll.u32 s28, $0x1;
	[dreg:$0x2] =	wrdreg s3  }
0xa9: {  	[dreg:$0x3] =	wrdreg s5  }
0xaa: {  	[dreg:$0x4] =	wrdreg $0xC0  }
0xab: {  	_ =	task [dreg:s7], $0x5FFFF  }
0xac: {  	[dreg:$0x1] =	wrdreg $0xFFFFFFFF  }
0xad: {  	[dreg:$0x0] =	wrdreg $0x60  }
0xae: {  	[dreg:$0x2] =	wrdreg s2  }
0xaf: {  	[dreg:$0x3] =	wrdreg s24  }
0xb0: {  	[dreg:$0x4] =	wrdreg $0x9  }
0xb1: {  	_ =	task.clear_ibuf [dreg:s7], $0x5FFFF;
	_ =	strace $0x90000049  }
0xb2: {  	s29 =	simm.s32 $0x9;
	_ =	strace $0x8000004B  }
0xb3: {  	_ =	swait.ge [sflag:s29], $0x1  }
0xb4: {  	[sflag:s29] =	ssyncadd.s32 $0xFFFFFFFF  }
0xb5: {  	_ =	strace $0x9000004B  }
0xb6: {  	_ =	sfence  }
0xb7: {  	s30 =	sld [smem:$0x0];
	_ =	sdelay $0x2  }
0xb8: {  	s31 =	sshll.u32 s1, $0xD;
	s1 =	sshrl.u32 s1, $0x2  }
0xb9: {  	s3 =	sand.u32 $0x4000, s31;
	s1 =	sadd.s32 s1, s30  }
0xba: {  	s0 =	sor.u32 s3, s0;
	s1 =	sshll.u32 s1, $0x11  }
0xbb: {  	s0 =	sor.u32 s1, s0  }
0xbc: {  	s0 =	sadd.s32 $0x8F2B, s0  }
0xbd: {  	[sflag:s0] =	ssyncadd.remote.s32 $0x1  }
0xbe: {  	_ =	sfence.sel $0xFFFF  }
0xbf: {  	[dreg:$0x0] =	wrdreg $0xFFFFFFFF;
	(pc) =	sbr.abs _section_cstart, $3  }
0xc0: {  	[dreg:$0x1] =	wrdreg $0xFFFFFFFF  }
0xc1: {  	_ =	task.clear_ibuf [dreg:s7], $0x2FFFF;
	_ =	strace $0x9FFFFFFF  }
0xc2: {  	(tm) =	ssettm $0x7FFFFFFF  }
0xc3: {  	_ =	shalt  }
tec
execute0_lowered:
.L_overlay_start_1:
0x0: {  	(tag) =	ssettag $0x1  }
0x1: {  	s1 =	rddreg [dreg:$0x0]  }
0x2: {  	s6 =	rddreg [dreg:$0x1]  }
0x3: {  	s0 =	rddreg [dreg:$0x2]  }
0x4: {  	s2 =	simm.s32 $0x0;
	s3 =	srdreg.scid;
	s11 =	simm.s32 $0x800  }
0x5: {  	s12 =	simm.s32 $0x4800;
	s13 =	simm.s32 $0x0;
	[smem:$0x7FF] =	sst s2  }
0x6: {  	s4 =	sadd.s32 $0x600, s6;
	s7 =	sand.u32 $0x1, s3;
	s5 =	sadd.s32 $0x800, s6  }
0x7: {  	v0 =	vimm.s32 $0x1FF;
	s3 =	stileid.u32;
	s6 =	sadd.s32 $0xA00, s6;
	s8 =	ssub.s32 $0x2, s7  }
0x8: {  	s10 =	sshll.u32 s3, $0x12;
	s7 =	sshll.u32 s7, $0x11;
	s9 =	sshrl.u32 s8, $0x1  }
0x9: {  	_ =	strace $0x8000004A;
	s7 =	sor.u32 s7, s10;
	s8 =	ssub.s32 s8, s9  }
0xa: {  	v1 =	vimm.s32 $0x0;
	s10 =	simm.s32 $0x400;
	s9 =	simm.s32 $0x1;
	s8 =	smax.u32 s8, $0x1  }
.LBB2_1:
0xb: {  	[tilespmem:s2], [sflag:$0x1] =	stream.linear.gather [hbm4b:s4+s2], $0x400, $0x38;
	[tilespmem:$0x8800] =	vst v63  }
0xc: {  	_ =	swait.ge [sflag:s9], $0x400  }
0xd: {  	[sflag:s9] =	ssyncset.done $0x0  }
0xe: {  	[sflag:s9] =	ssyncadd.s32 $0xFFFFFC00  }
0xf: {  	[tilespmem:s10], [sflag:$0x1] =	stream.linear.gather [hbm4b:s5+s2], $0x400, $0x38;
	[tilespmem:$0x8800] =	vst v63  }
0x10: {  	_ =	swait.ge [sflag:s9], $0x400  }
0x11: {  	[sflag:s9] =	ssyncset.done $0x0  }
0x12: {  	s14 =	simm.s32 $0x0;
	[sflag:s9] =	ssyncadd.s32 $0xFFFFFC00  }
.LBB2_2:
0x13: {  	s15 =	sshll.u32 s14, $0xB  }
0x14: {  	s15 =	sadd.s32 s7, s15  }
0x15: {  	s16 =	sadd.s32 s1, s15  }
0x16: {  	[tilespmem:s11], [sflag:$0x1] =	stream.linear.gather [hbm4b:s16+s2], $0x4000, $0x38;
	[tilespmem:$0x8800] =	vst v63  }
0x17: {  	_ =	swait.ge [sflag:s9], $0x4000  }
0x18: {  	s17 =	simm.s32 $0x820;
	[sflag:s9] =	ssyncset.done $0x0  }
0x19: {  	s18 =	simm.s32 $0x4820;
	s16 =	simm.s32 $0xFFFFFFFC;
	[sflag:s9] =	ssyncadd.s32 $0xFFFFC000  }
.LBB2_3:
0x1a: {  	v2 =	vld [tilespmem:s17+$0xFFFFFFE0]  }
0x1b: {  	v3 =	vld.idx.msk [tilespmem:v0+s2+$0x0], $0xffff;
	_ =	sdelay $0x4  }
0x1c: {  	vm0 =	vlt.f32 v3, v2  }
0x1d: {  	v3 =	vsel vm0, $0x200, v1  }
0x1e: {  	v4 =	vor.u32 $0xFF, v3;
	_ =	sdelay $0x4  }
0x1f: {  	v4 =	vld.idx.msk [tilespmem:v4+s2+$0x0], $0xffff;
	_ =	sdelay $0x4  }
0x20: {  	vm9 =	vlt.f32 v4, v2  }
0x21: {  	v4 =	vsel vm9, $0x100, v1  }
0x22: {  	v3 =	vor.u32 v3, v4  }
0x23: {  	v4 =	vor.u32 $0x7F, v3;
	_ =	sdelay $0x4  }
0x24: {  	v4 =	vld.idx.msk [tilespmem:v4+s2+$0x0], $0xffff;
	_ =	sdelay $0x4  }
0x25: {  	vm10 =	vlt.f32 v4, v2  }
0x26: {  	v4 =	vsel vm10, $0x80, v1  }
0x27: {  	v3 =	vor.u32 v4, v3  }
0x28: {  	v4 =	vor.u32 $0x3F, v3;
	_ =	sdelay $0x4  }
0x29: {  	v4 =	vld.idx.msk [tilespmem:v4+s2+$0x0], $0xffff;
	_ =	sdelay $0x4  }
0x2a: {  	vm11 =	vlt.f32 v4, v2  }
0x2b: {  	v4 =	vsel vm11, $0x40, v1  }
0x2c: {  	v3 =	vor.u32 v4, v3  }
0x2d: {  	v4 =	vor.u32 $0x1F, v3;
	_ =	sdelay $0x4  }
0x2e: {  	v4 =	vld.idx.msk [tilespmem:v4+s2+$0x0], $0xffff;
	_ =	sdelay $0x4  }
0x2f: {  	vm12 =	vlt.f32 v4, v2  }
0x30: {  	v4 =	vsel vm12, $0x20, v1  }
0x31: {  	v3 =	vor.u32 v4, v3  }
0x32: {  	v4 =	vor.u32 $0xF, v3;
	_ =	sdelay $0x4  }
0x33: {  	v4 =	vld.idx.msk [tilespmem:v4+s2+$0x0], $0xffff;
	_ =	sdelay $0x4  }
0x34: {  	vm13 =	vlt.f32 v4, v2  }
0x35: {  	v4 =	vsel vm13, $0x10, v1  }
0x36: {  	v3 =	vor.u32 v4, v3  }
0x37: {  	v4 =	vor.u32 $0x7, v3;
	_ =	sdelay $0x4  }
0x38: {  	v4 =	vld.idx.msk [tilespmem:v4+s2+$0x0], $0xffff;
	_ =	sdelay $0x4  }
0x39: {  	vm14 =	vlt.f32 v4, v2  }
0x3a: {  	v4 =	vsel vm14, $0x8, v1  }
0x3b: {  	v3 =	vor.u32 v4, v3  }
0x3c: {  	v4 =	vadd.s32 $0x3, v3;
	_ =	sdelay $0x4  }
0x3d: {  	v4 =	vld.idx.msk [tilespmem:v4+s2+$0x0], $0xffff;
	_ =	sdelay $0x4  }
0x3e: {  	vm15 =	vlt.f32 v4, v2  }
0x3f: {  	v4 =	vsel vm15, $0x4, v1  }
0x40: {  	v3 =	vadd.s32 v4, v3  }
0x41: {  	v4 =	vadd.s32 $0x1, v3;
	_ =	sdelay $0x4  }
0x42: {  	v4 =	vld.idx.msk [tilespmem:v4+s2+$0x0], $0xffff;
	_ =	sdelay $0x4  }
0x43: {  	vm4 =	vlt.f32 v4, v2  }
0x44: {  	v4 =	vsel vm4, $0x2, v1  }
0x45: {  	v3 =	vadd.s32 v4, v3;
	_ =	sdelay $0x4  }
0x46: {  	v4 =	vld.idx.msk [tilespmem:v3+s2+$0x0], $0xffff;
	_ =	sdelay $0x4  }
0x47: {  	vm5 =	vlt.f32 v4, v2  }
0x48: {  	v4 =	vsel vm5, $0x1, v1  }
0x49: {  	v3 =	vadd.s32 v4, v3  }
0x4a: {  	v3 =	vmax.u32 v3, $0x1  }
0x4b: {  	v3 =	vmin.u32 v3, $0x3FF  }
0x4c: {  	v51 =	vadd.s32 $0xFFFFFFFF, v3;
	_ =	sdelay $0x3  }
0x4d: {  	v6 =	vld.idx.msk [tilespmem:v3+s2+$0x0], $0xffff  }
0x4e: {  	v5 =	vld.idx.msk [tilespmem:v51+s2+$0x0], $0xffff;
	_ =	sdelay $0x4  }
0x4f: {  	v5 =	vsub.f32 v2, v5;
	v2 =	vsub.f32 v2, v6;
	_ =	sdelay $0x1  }
0x50: {  	v5 =	vand.u32 $0x7FFFFFFF, v5;
	v2 =	vand.u32 $0x7FFFFFFF, v2  }
0x51: {  	vm6 =	vlt.f32 v5, v2  }
0x52: {  	v2 =	vsel vm6, v51, v3;
	_ =	sdelay $0x4  }
0x53: {  	v2 =	vld.idx.msk [tilespmem:v2+s10+$0x0], $0xffff;
	_ =	sdelay $0x4  }
0x54: {  	[tilespmem:s18+$0xFFFFFFE0] =	vst v2  }
0x55: {  	v2 =	vld [tilespmem:s17+$0xFFFFFFF0]  }
0x56: {  	v3 =	vld.idx.msk [tilespmem:v0+s2+$0x0], $0xffff;
	_ =	sdelay $0x4  }
0x57: {  	vm7 =	vlt.f32 v3, v2  }
0x58: {  	v3 =	vsel vm7, $0x200, v1  }
0x59: {  	v52 =	vor.u32 $0xFF, v3;
	_ =	sdelay $0x4  }
0x5a: {  	v4 =	vld.idx.msk [tilespmem:v52+s2+$0x0], $0xffff;
	_ =	sdelay $0x4  }
0x5b: {  	vm8 =	vlt.f32 v4, v2  }
0x5c: {  	v4 =	vsel vm8, $0x100, v1  }
0x5d: {  	v3 =	vor.u32 v3, v4  }
0x5e: {  	v4 =	vor.u32 $0x7F, v3;
	_ =	sdelay $0x4  }
0x5f: {  	v4 =	vld.idx.msk [tilespmem:v4+s2+$0x0], $0xffff;
	_ =	sdelay $0x4  }
0x60: {  	vm9 =	vlt.f32 v4, v2  }
0x61: {  	v4 =	vsel vm9, $0x80, v1  }
0x62: {  	v3 =	vor.u32 v4, v3  }
0x63: {  	v4 =	vor.u32 $0x3F, v3;
	_ =	sdelay $0x4  }
0x64: {  	v4 =	vld.idx.msk [tilespmem:v4+s2+$0x0], $0xffff;
	_ =	sdelay $0x4  }
0x65: {  	vm10 =	vlt.f32 v4, v2  }
0x66: {  	v4 =	vsel vm10, $0x40, v1  }
0x67: {  	v3 =	vor.u32 v4, v3  }
0x68: {  	v4 =	vor.u32 $0x1F, v3;
	_ =	sdelay $0x4  }
0x69: {  	v4 =	vld.idx.msk [tilespmem:v4+s2+$0x0], $0xffff;
	_ =	sdelay $0x4  }
0x6a: {  	vm11 =	vlt.f32 v4, v2  }
0x6b: {  	v4 =	vsel vm11, $0x20, v1  }
0x6c: {  	v3 =	vor.u32 v4, v3  }
0x6d: {  	v4 =	vor.u32 $0xF, v3;
	_ =	sdelay $0x4  }
0x6e: {  	v4 =	vld.idx.msk [tilespmem:v4+s2+$0x0], $0xffff;
	_ =	sdelay $0x4  }
0x6f: {  	vm12 =	vlt.f32 v4, v2  }
0x70: {  	v4 =	vsel vm12, $0x10, v1  }
0x71: {  	v3 =	vor.u32 v4, v3  }
0x72: {  	v4 =	vor.u32 $0x7, v3;
	_ =	sdelay $0x4  }
0x73: {  	v4 =	vld.idx.msk [tilespmem:v4+s2+$0x0], $0xffff;
	_ =	sdelay $0x4  }
0x74: {  	vm13 =	vlt.f32 v4, v2  }
0x75: {  	v4 =	vsel vm13, $0x8, v1  }
0x76: {  	v3 =	vor.u32 v4, v3  }
0x77: {  	v4 =	vadd.s32 $0x3, v3;
	_ =	sdelay $0x4  }
0x78: {  	v4 =	vld.idx.msk [tilespmem:v4+s2+$0x0], $0xffff;
	_ =	sdelay $0x4  }
0x79: {  	vm14 =	vlt.f32 v4, v2  }
0x7a: {  	v4 =	vsel vm14, $0x4, v1  }
0x7b: {  	v3 =	vadd.s32 v4, v3  }
0x7c: {  	v4 =	vadd.s32 $0x1, v3;
	_ =	sdelay $0x4  }
0x7d: {  	v4 =	vld.idx.msk [tilespmem:v4+s2+$0x0], $0xffff;
	_ =	sdelay $0x4  }
0x7e: {  	vm15 =	vlt.f32 v4, v2  }
0x7f: {  	v4 =	vsel vm15, $0x2, v1  }
0x80: {  	v3 =	vadd.s32 v4, v3;
	_ =	sdelay $0x4  }
0x81: {  	v4 =	vld.idx.msk [tilespmem:v3+s2+$0x0], $0xffff;
	_ =	sdelay $0x4  }
0x82: {  	vm4 =	vlt.f32 v4, v2  }
0x83: {  	v4 =	vsel vm4, $0x1, v1  }
0x84: {  	v3 =	vadd.s32 v4, v3  }
0x85: {  	v3 =	vmax.u32 v3, $0x1  }
0x86: {  	v3 =	vmin.u32 v3, $0x3FF  }
0x87: {  	v53 =	vadd.s32 $0xFFFFFFFF, v3;
	_ =	sdelay $0x3  }
0x88: {  	v55 =	vld.idx.msk [tilespmem:v3+s2+$0x0], $0xffff  }
0x89: {  	v54 =	vld.idx.msk [tilespmem:v53+s2+$0x0], $0xffff;
	_ =	sdelay $0x4  }
0x8a: {  	v5 =	vsub.f32 v2, v54;
	v2 =	vsub.f32 v2, v55;
	_ =	sdelay $0x1  }
0x8b: {  	v5 =	vand.u32 $0x7FFFFFFF, v5;
	v2 =	vand.u32 $0x7FFFFFFF, v2  }
0x8c: {  	vm5 =	vlt.f32 v5, v2  }
0x8d: {  	v2 =	vsel vm5, v53, v3;
	_ =	sdelay $0x4  }
0x8e: {  	v2 =	vld.idx.msk [tilespmem:v2+s10+$0x0], $0xffff;
	_ =	sdelay $0x4  }
0x8f: {  	[tilespmem:s18+$0xFFFFFFF0] =	vst v2  }
0x90: {  	v2 =	vld [tilespmem:s17+$0x0]  }
0x91: {  	v3 =	vld.idx.msk [tilespmem:v0+s2+$0x0], $0xffff;
	_ =	sdelay $0x4  }
0x92: {  	vm6 =	vlt.f32 v3, v2  }
0x93: {  	v3 =	vsel vm6, $0x200, v1  }
0x94: {  	v56 =	vor.u32 $0xFF, v3;
	_ =	sdelay $0x4  }
0x95: {  	v4 =	vld.idx.msk [tilespmem:v56+s2+$0x0], $0xffff;
	_ =	sdelay $0x4  }
0x96: {  	vm7 =	vlt.f32 v4, v2  }
0x97: {  	v4 =	vsel vm7, $0x100, v1  }
0x98: {  	v3 =	vor.u32 v3, v4  }
0x99: {  	v4 =	vor.u32 $0x7F, v3;
	_ =	sdelay $0x4  }
0x9a: {  	v4 =	vld.idx.msk [tilespmem:v4+s2+$0x0], $0xffff;
	_ =	sdelay $0x4  }
0x9b: {  	vm8 =	vlt.f32 v4, v2  }
0x9c: {  	v4 =	vsel vm8, $0x80, v1  }
0x9d: {  	v3 =	vor.u32 v4, v3  }
0x9e: {  	v4 =	vor.u32 $0x3F, v3;
	_ =	sdelay $0x4  }
0x9f: {  	v4 =	vld.idx.msk [tilespmem:v4+s2+$0x0], $0xffff;
	_ =	sdelay $0x4  }
0xa0: {  	vm9 =	vlt.f32 v4, v2  }
0xa1: {  	v4 =	vsel vm9, $0x40, v1  }
0xa2: {  	v3 =	vor.u32 v4, v3  }
0xa3: {  	v4 =	vor.u32 $0x1F, v3;
	_ =	sdelay $0x4  }
0xa4: {  	v4 =	vld.idx.msk [tilespmem:v4+s2+$0x0], $0xffff;
	_ =	sdelay $0x4  }
0xa5: {  	vm10 =	vlt.f32 v4, v2  }
0xa6: {  	v4 =	vsel vm10, $0x20, v1  }
0xa7: {  	v3 =	vor.u32 v4, v3  }
0xa8: {  	v4 =	vor.u32 $0xF, v3;
	_ =	sdelay $0x4  }
0xa9: {  	v4 =	vld.idx.msk [tilespmem:v4+s2+$0x0], $0xffff;
	_ =	sdelay $0x4  }
0xaa: {  	vm11 =	vlt.f32 v4, v2  }
0xab: {  	v4 =	vsel vm11, $0x10, v1  }
0xac: {  	v3 =	vor.u32 v4, v3  }
0xad: {  	v4 =	vor.u32 $0x7, v3;
	_ =	sdelay $0x4  }
0xae: {  	v4 =	vld.idx.msk [tilespmem:v4+s2+$0x0], $0xffff;
	_ =	sdelay $0x4  }
0xaf: {  	vm12 =	vlt.f32 v4, v2  }
0xb0: {  	v4 =	vsel vm12, $0x8, v1  }
0xb1: {  	v3 =	vor.u32 v4, v3  }
0xb2: {  	v4 =	vadd.s32 $0x3, v3;
	_ =	sdelay $0x4  }
0xb3: {  	v4 =	vld.idx.msk [tilespmem:v4+s2+$0x0], $0xffff;
	_ =	sdelay $0x4  }
0xb4: {  	vm13 =	vlt.f32 v4, v2  }
0xb5: {  	v4 =	vsel vm13, $0x4, v1  }
0xb6: {  	v3 =	vadd.s32 v4, v3  }
0xb7: {  	v4 =	vadd.s32 $0x1, v3;
	_ =	sdelay $0x4  }
0xb8: {  	v4 =	vld.idx.msk [tilespmem:v4+s2+$0x0], $0xffff;
	_ =	sdelay $0x4  }
0xb9: {  	vm14 =	vlt.f32 v4, v2  }
0xba: {  	v4 =	vsel vm14, $0x2, v1  }
0xbb: {  	v3 =	vadd.s32 v4, v3;
	_ =	sdelay $0x4  }
0xbc: {  	v4 =	vld.idx.msk [tilespmem:v3+s2+$0x0], $0xffff;
	_ =	sdelay $0x4  }
0xbd: {  	vm15 =	vlt.f32 v4, v2  }
0xbe: {  	v4 =	vsel vm15, $0x1, v1  }
0xbf: {  	v3 =	vadd.s32 v4, v3  }
0xc0: {  	v3 =	vmax.u32 v3, $0x1  }
0xc1: {  	v3 =	vmin.u32 v3, $0x3FF  }
0xc2: {  	v57 =	vadd.s32 $0xFFFFFFFF, v3;
	_ =	sdelay $0x3  }
0xc3: {  	v59 =	vld.idx.msk [tilespmem:v3+s2+$0x0], $0xffff  }
0xc4: {  	v58 =	vld.idx.msk [tilespmem:v57+s2+$0x0], $0xffff;
	_ =	sdelay $0x4  }
0xc5: {  	v5 =	vsub.f32 v2, v58;
	v2 =	vsub.f32 v2, v59;
	_ =	sdelay $0x1  }
0xc6: {  	v5 =	vand.u32 $0x7FFFFFFF, v5;
	v2 =	vand.u32 $0x7FFFFFFF, v2  }
0xc7: {  	vm4 =	vlt.f32 v5, v2  }
0xc8: {  	v2 =	vsel vm4, v57, v3;
	_ =	sdelay $0x4  }
0xc9: {  	v2 =	vld.idx.msk [tilespmem:v2+s10+$0x0], $0xffff;
	_ =	sdelay $0x4  }
0xca: {  	[tilespmem:s18+$0x0] =	vst v2  }
0xcb: {  	v2 =	vld [tilespmem:s17+$0x10]  }
0xcc: {  	v3 =	vld.idx.msk [tilespmem:v0+s2+$0x0], $0xffff;
	_ =	sdelay $0x4  }
0xcd: {  	vm5 =	vlt.f32 v3, v2  }
0xce: {  	v3 =	vsel vm5, $0x200, v1  }
0xcf: {  	v60 =	vor.u32 $0xFF, v3;
	_ =	sdelay $0x4  }
0xd0: {  	v4 =	vld.idx.msk [tilespmem:v60+s2+$0x0], $0xffff;
	_ =	sdelay $0x4  }
0xd1: {  	vm6 =	vlt.f32 v4, v2  }
0xd2: {  	v4 =	vsel vm6, $0x100, v1  }
0xd3: {  	v3 =	vor.u32 v3, v4  }
0xd4: {  	v4 =	vor.u32 $0x7F, v3;
	_ =	sdelay $0x4  }
0xd5: {  	v4 =	vld.idx.msk [tilespmem:v4+s2+$0x0], $0xffff;
	_ =	sdelay $0x4  }
0xd6: {  	vm7 =	vlt.f32 v4, v2  }
0xd7: {  	v4 =	vsel vm7, $0x80, v1  }
0xd8: {  	v3 =	vor.u32 v4, v3  }
0xd9: {  	v4 =	vor.u32 $0x3F, v3;
	_ =	sdelay $0x4  }
0xda: {  	v4 =	vld.idx.msk [tilespmem:v4+s2+$0x0], $0xffff;
	_ =	sdelay $0x4  }
0xdb: {  	vm8 =	vlt.f32 v4, v2  }
0xdc: {  	v4 =	vsel vm8, $0x40, v1  }
0xdd: {  	v3 =	vor.u32 v4, v3  }
0xde: {  	v4 =	vor.u32 $0x1F, v3;
	_ =	sdelay $0x4  }
0xdf: {  	v4 =	vld.idx.msk [tilespmem:v4+s2+$0x0], $0xffff;
	_ =	sdelay $0x4  }
0xe0: {  	vm9 =	vlt.f32 v4, v2  }
0xe1: {  	v4 =	vsel vm9, $0x20, v1  }
0xe2: {  	v3 =	vor.u32 v4, v3  }
0xe3: {  	v4 =	vor.u32 $0xF, v3;
	_ =	sdelay $0x4  }
0xe4: {  	v4 =	vld.idx.msk [tilespmem:v4+s2+$0x0], $0xffff;
	_ =	sdelay $0x4  }
0xe5: {  	vm10 =	vlt.f32 v4, v2  }
0xe6: {  	v4 =	vsel vm10, $0x10, v1  }
0xe7: {  	v3 =	vor.u32 v4, v3  }
0xe8: {  	v4 =	vor.u32 $0x7, v3;
	_ =	sdelay $0x4  }
0xe9: {  	v4 =	vld.idx.msk [tilespmem:v4+s2+$0x0], $0xffff;
	_ =	sdelay $0x4  }
0xea: {  	vm11 =	vlt.f32 v4, v2  }
0xeb: {  	v4 =	vsel vm11, $0x8, v1  }
0xec: {  	v3 =	vor.u32 v4, v3  }
0xed: {  	v4 =	vadd.s32 $0x3, v3;
	_ =	sdelay $0x4  }
0xee: {  	v4 =	vld.idx.msk [tilespmem:v4+s2+$0x0], $0xffff;
	_ =	sdelay $0x4  }
0xef: {  	vm12 =	vlt.f32 v4, v2  }
0xf0: {  	v4 =	vsel vm12, $0x4, v1  }
0xf1: {  	v3 =	vadd.s32 v4, v3  }
0xf2: {  	v4 =	vadd.s32 $0x1, v3;
	_ =	sdelay $0x4  }
0xf3: {  	v4 =	vld.idx.msk [tilespmem:v4+s2+$0x0], $0xffff;
	_ =	sdelay $0x4  }
0xf4: {  	vm13 =	vlt.f32 v4, v2  }
0xf5: {  	v4 =	vsel vm13, $0x2, v1  }
0xf6: {  	v3 =	vadd.s32 v4, v3;
	_ =	sdelay $0x4  }
0xf7: {  	v4 =	vld.idx.msk [tilespmem:v3+s2+$0x0], $0xffff;
	_ =	sdelay $0x4  }
0xf8: {  	vm14 =	vlt.f32 v4, v2  }
0xf9: {  	v4 =	vsel vm14, $0x1, v1  }
0xfa: {  	v3 =	vadd.s32 v4, v3  }
0xfb: {  	v3 =	vmax.u32 v3, $0x1  }
0xfc: {  	v3 =	vmin.u32 v3, $0x3FF  }
0xfd: {  	v61 =	vadd.s32 $0xFFFFFFFF, v3;
	_ =	sdelay $0x3  }
0xfe: {  	v63 =	vld.idx.msk [tilespmem:v3+s2+$0x0], $0xffff  }
0xff: {  	v62 =	vld.idx.msk [tilespmem:v61+s2+$0x0], $0xffff;
	_ =	sdelay $0x4  }
0x100: {  	v5 =	vsub.f32 v2, v62;
	v2 =	vsub.f32 v2, v63;
	_ =	sdelay $0x1  }
0x101: {  	v5 =	vand.u32 $0x7FFFFFFF, v5;
	v2 =	vand.u32 $0x7FFFFFFF, v2  }
0x102: {  	vm15 =	vlt.f32 v5, v2  }
0x103: {  	v2 =	vsel vm15, v61, v3;
	_ =	sdelay $0x3  }
0x104: {  	s16 =	sadd.s32 $0x4, s16  }
0x105: {  	p0 =	slt.u32 s16, $0x3FC;
	v2 =	vld.idx.msk [tilespmem:v2+s10+$0x0], $0xffff  }
.Ltmp0:
0x106: {  	_ = 	snop;
	(pc) =	sbr.rel @p0 .LBB2_3-.Ltmp0, $2  }
0x107: {  	_ =	sdelay $0x2  }
0x108: {  	s17 =	sadd.s32 $0x40, s17;
	[tilespmem:s18+$0x10] =	vst v2;
	s18 =	sadd.s32 $0x40, s18  }
0x109: {  	s14 =	sadd.s32 $0x1, s14  }
0x10a: {  	p0 =	sne.s32 s14, $0x40  }
.Ltmp1:
0x10b: {  	s15 =	sadd.s32 s6, s15;
	(pc) =	sbr.rel @p0 .LBB2_2-.Ltmp1, $4  }
0x10c: {  	[hbm4b:s15+s2] =	stream.linear.scatter [tilespmem:s12], [sflag:$0x1], $0x4000, $0x38;
	[tilespmem:$0x8800] =	vst v63  }
0x10d: {  	_ =	swait.ge [sflag:s9], $0x4000  }
0x10e: {  	[sflag:s9] =	ssyncset.done $0x0  }
0x10f: {  	[sflag:s9] =	ssyncadd.s32 $0xFFFFC000  }
0x110: {  	s13 =	sadd.s32 $0x1, s13  }
0x111: {  	p0 =	sne.s32 s13, s8  }
.Ltmp2:
0x112: {  	_ = 	snop;
	(pc) =	sbr.rel @p0 .LBB2_1-.Ltmp2, $1  }
0x113: {  	_ =	sdelay $0x3  }
0x114: {  	_ =	sfence.sel $0x180000  }
0x115: {  	[bflag:$0x0] =	sbarrier.arrive $0xFFFF  }
0x116: {  	p0 =	sne.s32 s3, $0x0;
	_ =	strace $0x9000004A  }
0x117: {  	s0 =	sadd.s32 @!p0 $0x100000, s0;
	[bflag:$0x2] =	sbarrier.arrive $0xFFFF  }
0x118: {  	[sflag:s0] =	ssyncadd.tile.s32 @!p0 $0x1;
	_ =	shalt  }
.Lfunc_end2:
_tile_overlayer_lowered:
.L_overlay_start_2:
0x119: {  	(tag) =	ssettag $0x2  }
0x11a: {  	s0 =	rddreg [dreg:$0x0];
	s2 =	stileid.u32  }
0x11b: {  	s1 =	rddreg [dreg:$0x1];
	p0 =	sne.s32 s2, $0x0  }
0x11c: {  	s3 =	rddreg [dreg:$0x2];
	[bflag:$0x3] =	sbarrier.arrive $0xFFFF;
	s2 =	simm.s32 @!p0 $0x1C01  }
0x11d: {  	[timem:s3], [sflag:s2] =	dma.local @!p0 [hbm:s0], s1  }
0x11e: {  	s0 =	simm.s32 @!p0 $0x1  }
0x11f: {  	_ =	swait.ge @!p0 [sflag:s0], s1  }
0x120: {  	s1 =	ssub.s32 @!p0 $0x0, s1;
	[sflag:s0] =	ssyncset.done @!p0 $0x0  }
0x121: {  	[sflag:s0] =	ssyncadd.s32 @!p0 s1  }
0x122: {  	[bflag:$0x3] =	sbarrier.arrive $0xFFFF  }
0x123: {  	_ =	shalt  }

// kernel: sparse-core-data-format-call.cloned.1.call-start
scs
called_computation_lowered:
.L_overlay_start_0:
0x0: {  	s2 =	sld [smem:$0x3FD9]  }
0x1: {  	s3 =	sld [smem:$0x3FFE];
	_ =	sdelay $0x1  }
0x2: {  	s1 =	srdreg.scid  }
0x3: {  	s0 =	sand.u32 $0x1, s1  }
0x4: {  	s19 =	sshll.u32 s0, $0xA;
	s2 =	sadd.s32 s3, s2  }
0x5: {  	s2 =	sadd.s32 s2, s19  }
0x6: {  	[smem:$0x3FC3] =	sst s2  }
0x7: {  	_ = 	snop  }
0x8: {  	s2 =	sld [smem:$0x3FC9]  }
0x9: {  	s20 =	sld [smem:$0x3FD0];
	(tm) =	ssettm $0x1  }
0xa: {  	s4 =	sld [smem:$0x3FFB];
	_ =	sdelay $0x3  }
0xb: {  	_ =	strace s4  }
0xc: {  	s4 =	sld [smem:$0x3FFC];
	_ =	sdelay $0x3  }
0xd: {  	_ =	strace s4  }
0xe: {  	s4 =	sld [smem:$0x3FFD];
	_ =	sdelay $0x3  }
0xf: {  	_ =	strace s4  }
0x10: {  	_ =	strace $0x8FFFFFFF  }
0x11: {  	s21 =	sld [smem:$0x3FDB];
	_ =	sdelay $0x1  }
0x12: {  	s5 =	simm.s32 $_scs_section_size  }
0x13: {  	s6 =	simm.s32 $_size__tile_overlayer_lowered;
	s7 =	simm.s32 $_tile_overlayer_lowered  }
0x14: {  	s24 =	simm.s32 $0x1BFF;
	s23 =	sshll.u32 s7, $0x1;
	s4 =	sadd.s32 s5, s21  }
0x15: {  	s8 =	simm.s32 $0x0;
	s22 =	sshll.u32 s6, $0x1;
	s6 =	sadd.s32 s23, s4  }
0x16: {  	[timem:s8], [sflag:s24] =	dma.local [hbm:s6], s22  }
0x17: {  	_ =	swait.ge [sflag:s24], s22  }
0x18: {  	s5 =	ssub.s32 $0x0, s22;
	[sflag:s24] =	ssyncset.done $0x0  }
0x19: {  	[sflag:s24] =	ssyncadd.s32 s5;
	_ =	sdelay $0x1  }
0x1a: {  	s25 =	simm.s32 $0x1B8B  }
0x1b: {  	_ =	swait.ge [sflag:s25], $0x1  }
0x1c: {  	[sflag:s25] =	ssyncset.done $0x0  }
0x1d: {  	s26 =	simm.s32 $0x1B8E;
	[sflag:s25] =	ssyncadd.s32 $0xFFFFFFFF  }
0x1e: {  	s27 =	simm.s32 $execute0_lowered;
	[smem:$0x3FD2] =	sst s26  }
0x1f: {  	s5 =	sshll.u32 s27, $0x1;
	_ =	strace $0x80000046;
	[dreg:$0x1] =	wrdreg $0xFFFFFFFF  }
0x20: {  	s28 =	simm.s32 $_size_execute0_lowered;
	s4 =	sadd.s32 s4, s5;
	[dreg:$0x0] =	wrdreg $0x0  }
0x21: {  	s5 =	sshll.u32 s28, $0x1;
	[dreg:$0x2] =	wrdreg s4  }
0x22: {  	[dreg:$0x3] =	wrdreg s5  }
0x23: {  	[dreg:$0x4] =	wrdreg $0xC0  }
0x24: {  	_ =	task [dreg:s8], $0x5FFFF  }
0x25: {  	[dreg:$0x1] =	wrdreg $0xFFFFFFFF  }
0x26: {  	[dreg:$0x0] =	wrdreg $0x60  }
0x27: {  	[dreg:$0x2] =	wrdreg s2  }
0x28: {  	[dreg:$0x3] =	wrdreg s20  }
0x29: {  	[dreg:$0x4] =	wrdreg $0x9  }
0x2a: {  	_ =	task.clear_ibuf [dreg:s8], $0x5FFFF;
	_ =	strace $0x90000046  }
0x2b: {  	s29 =	simm.s32 $0x9;
	_ =	strace $0x80000048  }
0x2c: {  	_ =	swait.ge [sflag:s29], $0x1  }
0x2d: {  	[sflag:s29] =	ssyncadd.s32 $0xFFFFFFFF  }
0x2e: {  	_ =	strace $0x90000048  }
0x2f: {  	_ =	sfence  }
0x30: {  	s30 =	sld [smem:$0x0];
	_ =	sdelay $0x2  }
0x31: {  	s31 =	sshll.u32 s1, $0xD;
	s1 =	sshrl.u32 s1, $0x2  }
0x32: {  	s3 =	sand.u32 $0x4000, s31;
	s1 =	sadd.s32 s1, s30  }
0x33: {  	s0 =	sor.u32 s3, s0;
	s1 =	sshll.u32 s1, $0x11  }
0x34: {  	s0 =	sor.u32 s1, s0  }
0x35: {  	s0 =	sadd.s32 $0x8F2B, s0  }
0x36: {  	[sflag:s0] =	ssyncadd.remote.s32 $0x1  }
0x37: {  	_ =	sfence.sel $0xFFFF  }
0x38: {  	[dreg:$0x0] =	wrdreg $0xFFFFFFFF;
	(pc) =	sbr.abs _section_cstart, $3  }
0x39: {  	[dreg:$0x1] =	wrdreg $0xFFFFFFFF  }
0x3a: {  	_ =	task.clear_ibuf [dreg:s8], $0x2FFFF;
	_ =	strace $0x9FFFFFFF  }
0x3b: {  	(tm) =	ssettm $0x7FFFFFFF  }
tec
execute0_lowered:
.L_overlay_start_1:
0x0: {  	(tag) =	ssettag $0x1  }
0x1: {  	s2 =	rddreg [dreg:$0x0]  }
0x2: {  	s3 =	rddreg [dreg:$0x1]  }
0x3: {  	s0 =	rddreg [dreg:$0x2];
	s4 =	srdreg.scid  }
.Ltmp0:
0x4: {  	_ =	strace $0x80000047;
	s1 =	stileid.u32;
	(pc) =	sbr.rel .LBB1_1-.Ltmp0, $4  }
0x5: {  	s6 =	simm.s32 $0x2;
	p0 =	por $0x0, $0x0;
	s5 =	sshll.u32 s4, $0x4  }
0x6: {  	s9 =	simm.s32 $0x0;
	s4 =	simm.s32 $0x1;
	s5 =	sand.u32 $0x10, s5  }
0x7: {  	s7 =	simm.s32 $0x0;
	[sflag:s4] =	ssyncpa.u1 $0x0;
	s5 =	sor.u32 s1, s5  }
0x8: {  	[sflag:s6] =	ssyncpa.u1 $0x0;
	s6 =	simm.s32 $0x0;
	s8 =	smov.u32 s5  }
.LBB1_7:
0x9: {  	s11 =	sadd.s32 $0x20, s8  }
0xa: {  	p1 =	slt.u32 s7, $0x2;
	s7 =	sadd.s32 $0x1, s7;
	p2 =	sgt.s32 s11, $0x7FF  }
0xb: {  	s11 =	smov.u32 @p2 s5;
	p2 =	sne.s32 s7, $0x42  }
.Ltmp1:
0xc: {  	_ = 	snop;
	(pc) =	sbr.rel @!p2 .LBB1_8-.Ltmp1, $4  }
0xd: {  	s10 =	simm.s32 @!p1 $0x2  }
0xe: {  	_ =	swait.ge @!p1 [sflag:s10], $0x4000  }
0xf: {  	s9 =	smov.u32 s8;
	[sflag:s10] =	ssyncset.done @!p1 $0x0  }
0x10: {  	p0 =	por !p0, !p0;
	s8 =	smov.u32 s11;
	[sflag:s10] =	ssyncadd.s32 @!p1 $0xFFFFC000  }
.LBB1_1:
0x11: {  	p1 =	sgt.u32 s7, $0x3F  }
0x12: {  	s10 =	sxor.u32 @!p1 $0xFFFFFFFF, s7  }
0x13: {  	s11 =	sshll.u32 @!p1 s8, $0xB;
	s10 =	sshll.u32 @!p1 s10, $0xE  }
0x14: {  	s12 =	simm.s32 @!p1 $0x0;
	s11 =	sadd.s32 @!p1 s2, s11;
	s10 =	sand.u32 @!p1 $0x4000, s10  }
0x15: {  	[tilespmem:s10], [sflag:$0x1] =	stream.linear.gather @!p1 [hbm4b:s11+s12], $0x4000, $0x38;
	[tilespmem:$0x10000] =	vst v63  }
0x16: {  	p1 =	seq.s32 s7, $0x0  }
0x17: {  	p2 =	seq.s32 @!p1 s7, $0x41  }
0x18: {  	p1 =	por p1, p2  }
.Ltmp2:
0x19: {  	_ = 	snop;
	(pc) =	sbr.rel @p1 .LBB1_7-.Ltmp2, $1  }
0x1a: {  	_ =	sdelay $0x3  }
0x1b: {  	s10 =	simm.s32 $0x1;
	_ =	swait.ge [sflag:s4], $0x4000;
	s12 =	sshll.u32 s7, $0xE  }
0x1c: {  	s13 =	simm.s32 $0x0;
	s10 =	simm.s32 @!p0 $0x0;
	[sflag:s4] =	ssyncset.done $0x0  }
0x1d: {  	s12 =	sand.u32 $0x4000, s12;
	s11 =	sshll.u32 s10, $0xE;
	[sflag:s4] =	ssyncadd.s32 $0xFFFFC000  }
0x1e: {  	s12 =	sor.u32 $0x8000, s12;
	s10 =	sor.u32 $0x8040, s11;
	s11 =	sor.u32 $0x40, s11  }
.LBB1_3:
0x1f: {  	v0 =	vmov s11;
	_ =	sdelay $0x3  }
0x20: {  	s15 =	simm.s32 $0x0  }
0x21: {  	v6 =	vld.idx.msk [tilespmem:v0+s15+$0x30 ss:$0x1], $0xffff  }
0x22: {  	v7 =	vld.idx.msk [tilespmem:v0+s15+$0xFFFFFFC0 ss:$0x1], $0xffff  }
0x23: {  	v5 =	vld.idx.msk [tilespmem:v0+s15+$0xFFFFFFD0 ss:$0x1], $0xffff  }
0x24: {  	v4 =	vld.idx.msk [tilespmem:v0+s15+$0xFFFFFFE0 ss:$0x1], $0xffff  }
0x25: {  	v3 =	vld.idx.msk [tilespmem:v0+s15+$0xFFFFFFF0 ss:$0x1], $0xffff  }
0x26: {  	v1 =	vld.idx.msk [tilespmem:v0+s15+$0x0 ss:$0x1], $0xffff  }
0x27: {  	v2 =	vld.idx.msk [tilespmem:v0+s15+$0x10 ss:$0x1], $0xffff;
	[tilespmem:s10+$0x30] =	vst v6  }
0x28: {  	s14 =	simm.s32 $0x80;
	s16 =	simm.s32 $0x400;
	[tilespmem:s10+$0xFFFFFFC0] =	vst v7;
	v6 =	vld.idx.msk [tilespmem:v0+s15+$0x20 ss:$0x1], $0xffff;
	s15 =	smov.u32 s10  }
.LBB1_4:
0x29: {  	p1 =	sne.s32 s16, $0xE00;
	v7 =	vld.idx.msk [tilespmem:v0+s14+$0x30 ss:$0x1], $0xffff;
	[tilespmem:s15+$0xFFFFFFD0] =	vst v5  }
0x2a: {  	v8 =	vld.idx.msk [tilespmem:v0+s14+$0xFFFFFFC0 ss:$0x1], $0xffff;
	[tilespmem:s15+$0xFFFFFFE0] =	vst v4  }
0x2b: {  	v5 =	vld.idx.msk [tilespmem:v0+s14+$0xFFFFFFD0 ss:$0x1], $0xffff;
	[tilespmem:s15+$0xFFFFFFF0] =	vst v3  }
.Ltmp3:
0x2c: {  	v4 =	vld.idx.msk [tilespmem:v0+s14+$0xFFFFFFE0 ss:$0x1], $0xffff;
	[tilespmem:s15+$0x0] =	vst v1;
	(pc) =	sbr.rel @p1 .LBB1_4-.Ltmp3, $4  }
0x2d: {  	v3 =	vld.idx.msk [tilespmem:v0+s14+$0xFFFFFFF0 ss:$0x1], $0xffff;
	[tilespmem:s15+$0x10] =	vst v2  }
0x2e: {  	v1 =	vld.idx.msk [tilespmem:v0+s14+$0x0 ss:$0x1], $0xffff;
	[tilespmem:s15+$0x20] =	vst v6;
	s15 =	sadd.s32 $0x800, s15  }
0x2f: {  	v2 =	vld.idx.msk [tilespmem:v0+s14+$0x10 ss:$0x1], $0xffff;
	[tilespmem:s15+$0x30] =	vst v7  }
0x30: {  	[tilespmem:s15+$0xFFFFFFC0] =	vst v8;
	v6 =	vld.idx.msk [tilespmem:v0+s14+$0x20 ss:$0x1], $0xffff;
	s14 =	sshra.s32 s16, $0x2;
	s16 =	sadd.s32 $0x200, s16  }
0x31: {  	_ =	sdelay $0x2  }
0x32: {  	[tilespmem:s15+$0xFFFFFFD0] =	vst v5  }
0x33: {  	v56 =	vld.idx.msk [tilespmem:v0+s14+$0x30 ss:$0x1], $0xffff;
	[tilespmem:s15+$0xFFFFFFE0] =	vst v4  }
0x34: {  	v57 =	vld.idx.msk [tilespmem:v0+s14+$0xFFFFFFC0 ss:$0x1], $0xffff;
	[tilespmem:s15+$0xFFFFFFF0] =	vst v3  }
0x35: {  	v58 =	vld.idx.msk [tilespmem:v0+s14+$0xFFFFFFD0 ss:$0x1], $0xffff;
	[tilespmem:s15+$0x0] =	vst v1  }
0x36: {  	v59 =	vld.idx.msk [tilespmem:v0+s14+$0xFFFFFFE0 ss:$0x1], $0xffff;
	[tilespmem:s15+$0x10] =	vst v2  }
0x37: {  	v60 =	vld.idx.msk [tilespmem:v0+s14+$0xFFFFFFF0 ss:$0x1], $0xffff;
	s31 =	sadd.s32 $0x800, s15;
	[tilespmem:s15+$0x20] =	vst v6  }
0x38: {  	v61 =	vld.idx.msk [tilespmem:v0+s14+$0x0 ss:$0x1], $0xffff;
	[tilespmem:s31+$0x30] =	vst v56  }
0x39: {  	v62 =	vld.idx.msk [tilespmem:v0+s14+$0x10 ss:$0x1], $0xffff;
	s13 =	sadd.s32 $0x1, s13;
	[tilespmem:s31+$0xFFFFFFC0] =	vst v57  }
0x3a: {  	v63 =	vld.idx.msk [tilespmem:v0+s14+$0x20 ss:$0x1], $0xffff;
	p1 =	sne.s32 s13, $0x10;
	[tilespmem:s31+$0xFFFFFFD0] =	vst v58  }
.Ltmp4:
0x3b: {  	[tilespmem:s31+$0xFFFFFFE0] =	vst v59;
	(pc) =	sbr.rel @p1 .LBB1_3-.Ltmp4, $4  }
0x3c: {  	[tilespmem:s31+$0xFFFFFFF0] =	vst v60  }
0x3d: {  	[tilespmem:s31+$0x0] =	vst v61  }
0x3e: {  	[tilespmem:s31+$0x10] =	vst v62  }
0x3f: {  	s10 =	sadd.s32 $0x80, s10;
	s11 =	sadd.s32 $0x400, s11;
	[tilespmem:s31+$0x20] =	vst v63  }
.Ltmp5:
0x40: {  	(pc) =	sbr.rel .LBB1_7-.Ltmp5, $4  }
0x41: {  	_ = 	snop  }
0x42: {  	s9 =	sshll.u32 s9, $0xB  }
0x43: {  	s9 =	sadd.s32 s3, s9  }
0x44: {  	[hbm4b:s9+s6] =	stream.linear.scatter [tilespmem:s12], [sflag:$0x2], $0x4000, $0x38;
	[tilespmem:$0x10000] =	vst v63  }
.LBB1_8:
0x45: {  	_ =	sfence.sel $0x180000  }
0x46: {  	s2 =	simm.s32 $0x1;
	[bflag:$0x0] =	sbarrier.arrive $0xFFFF  }
0x47: {  	s31 =	simm.s32 $0x2;
	[sflag:s2] =	ssyncpa.u1 $0x1  }
0x48: {  	[sflag:s31] =	ssyncpa.u1 $0x1  }
0x49: {  	p0 =	sne.s32 s1, $0x0;
	_ =	strace $0x90000047  }
0x4a: {  	s0 =	sadd.s32 @!p0 $0x100000, s0;
	[bflag:$0x2] =	sbarrier.arrive $0xFFFF  }
0x4b: {  	[sflag:s0] =	ssyncadd.tile.s32 @!p0 $0x1;
	_ =	shalt  }
.Lfunc_end1:
_tile_overlayer_lowered:
.L_overlay_start_2:
0x4c: {  	(tag) =	ssettag $0x2  }
0x4d: {  	s0 =	rddreg [dreg:$0x0];
	s2 =	stileid.u32  }
0x4e: {  	s1 =	rddreg [dreg:$0x1];
	p0 =	sne.s32 s2, $0x0  }
0x4f: {  	s3 =	rddreg [dreg:$0x2];
	[bflag:$0x3] =	sbarrier.arrive $0xFFFF;
	s2 =	simm.s32 @!p0 $0x1C01  }
0x50: {  	[timem:s3], [sflag:s2] =	dma.local @!p0 [hbm:s0], s1  }
0x51: {  	s0 =	simm.s32 @!p0 $0x1  }
0x52: {  	_ =	swait.ge @!p0 [sflag:s0], s1  }
0x53: {  	s1 =	ssub.s32 @!p0 $0x0, s1;
	[sflag:s0] =	ssyncset.done @!p0 $0x0  }
0x54: {  	[sflag:s0] =	ssyncadd.s32 @!p0 s1  }
0x55: {  	[bflag:$0x3] =	sbarrier.arrive $0xFFFF  }
0x56: {  	_ =	shalt  }

</sc_bundles>
